<compile_context>
chip_gen: v7x
topology: tpu7x:2x2x1
jax: 0.10.2.dev20260603
libtpu: 0.0.44.dev20260713+nightly
codegen_flags: <defaults>
</compile_context>

<pallas_src>
import dataclasses
import functools

import jax
import jax.numpy as jnp
from jax import lax
from jax.experimental import pallas as pl
from jax.experimental.pallas import tpu as pltpu
from jax.experimental.pallas import tpu_sc as plsc

N_NODES = 10000
N_EDGES = 320000
D = 128

NC = 2
NS = 16
NW = NC * NS
CHUNK = 128
K = 80
E_PAD = NW * K * CHUNK
G1 = 16
NG1 = K // G1
NCHUNKS = E_PAD // CHUNK
CN0 = 128
CN1 = 2 * K - CN0
PAD_DST = 10008
N_ROWS = 10112
ROWS_PER_TILE = N_ROWS // NS

_mesh = plsc.VectorSubcoreMesh(core_axis_name="c", subcore_axis_name="s")

_sc_params = pltpu.CompilerParams()
if "needs_layout_passes" in pltpu.CompilerParams.__dataclass_fields__:
    _sc_params = dataclasses.replace(_sc_params, needs_layout_passes=False)


def _segsum_body(sidx_hbm, didx_hbm, x_hbm, zero_hbm, out_hbm,
                 sidx, didx, rows0, rows1, agg_sh, sem0, sem1):
    cid = lax.axis_index("c")
    sid = lax.axis_index("s")
    pltpu.sync_copy(zero_hbm.at[pl.ds(sid * ROWS_PER_TILE, ROWS_PER_TILE)],
                    agg_sh.at[pl.ds(sid * ROWS_PER_TILE, ROWS_PER_TILE)])
    plsc.subcore_barrier()
    base_c = jnp.where(cid == 0, sid * CN0, NS * CN0 + sid * CN1)
    ngrp = jnp.where(cid == 0, CN0 // G1, CN1 // G1)

    @pl.loop(0, ngrp)
    def _(g):
        pltpu.sync_copy(sidx_hbm.at[pl.ds(base_c + g * G1, G1)], sidx)
        pltpu.sync_copy(didx_hbm.at[pl.ds(base_c + g * G1, G1)], didx)

        @pl.loop(0, G1, step=2)
        def _(jj):
            cp0 = pltpu.async_copy(x_hbm.at[sidx.at[jj]], rows0, sem0)
            cp1 = pltpu.async_copy(x_hbm.at[sidx.at[jj + 1]], rows1, sem1)
            cp0.wait()
            pltpu.sync_copy(rows0, agg_sh.at[didx.at[jj]], add=True)
            cp1.wait()
            pltpu.sync_copy(rows1, agg_sh.at[didx.at[jj + 1]], add=True)

    plsc.subcore_barrier()
    pltpu.sync_copy(agg_sh.at[pl.ds(sid * ROWS_PER_TILE, ROWS_PER_TILE)],
                    out_hbm.at[cid].at[pl.ds(sid * ROWS_PER_TILE, ROWS_PER_TILE)])


@jax.jit
def _segsum(sidx, didx, x):
    zero = jnp.zeros((N_ROWS, D), jnp.float32)
    kern = pl.kernel(
        _segsum_body,
        out_type=jax.ShapeDtypeStruct((NC, N_ROWS, D), jnp.float32),
        mesh=_mesh,
        scratch_types=[
            pltpu.VMEM((G1, CHUNK), jnp.int32),
            pltpu.VMEM((G1, CHUNK), jnp.int32),
            pltpu.VMEM((CHUNK, D), jnp.float32),
            pltpu.VMEM((CHUNK, D), jnp.float32),
            pltpu.VMEM_SHARED((N_ROWS, D), jnp.float32),
            pltpu.SemaphoreType.DMA,
            pltpu.SemaphoreType.DMA,
        ],
    )
    return kern(sidx, didx, x, zero)


def _mlp_body(x_ref, a0_ref, a1_ref, wc_ref, wh_ref, b_ref, out_ref):
    a = x_ref[...] + a0_ref[...] + a1_ref[...]
    h = lax.dot_general(a, wc_ref[...], (((1,), (0,)), ((), ())),
                        preferred_element_type=jnp.float32,
                        precision=lax.Precision.HIGHEST)
    h = jnp.maximum(h, 0.0)
    o = lax.dot_general(h, wh_ref[...], (((1,), (0,)), ((), ())),
                        preferred_element_type=jnp.float32,
                        precision=lax.Precision.HIGHEST)
    out_ref[...] = o + b_ref[...]


@jax.jit
def _mlp(x, a0, a1, W_conv, W_head, b_head):
    blk = 1000
    grid = N_NODES // blk
    return pl.pallas_call(
        _mlp_body,
        out_shape=jax.ShapeDtypeStruct((N_NODES, D), jnp.float32),
        grid=(grid,),
        in_specs=[
            pl.BlockSpec((blk, D), lambda i: (i, 0)),
            pl.BlockSpec((blk, D), lambda i: (i, 0)),
            pl.BlockSpec((blk, D), lambda i: (i, 0)),
            pl.BlockSpec((D, D), lambda i: (0, 0)),
            pl.BlockSpec((D, D), lambda i: (0, 0)),
            pl.BlockSpec((1, D), lambda i: (0, 0)),
        ],
        out_specs=pl.BlockSpec((blk, D), lambda i: (i, 0)),
    )(x, a0, a1, W_conv, W_head, b_head.reshape(1, D))


HALF = CHUNK // 2


def _dot_half(jc, h, aref, bref, lbuf):
    zero16 = jnp.zeros((16,), jnp.float32)

    @pl.loop(0, HALF // 16)
    def _(g):
        e0 = g * 16
        lbuf[jc, pl.ds(h * HALF + e0, 16)] = zero16
        for ee in range(16):
            e = e0 + ee
            acc = aref[e, pl.ds(0, 16)] * bref[e, pl.ds(0, 16)]
            for k in range(1, D // 16):
                acc = acc + aref[e, pl.ds(16 * k, 16)] * bref[e, pl.ds(16 * k, 16)]
            plsc.addupdate_scatter(lbuf, [jnp.full((16,), jc, jnp.int32),
                                          jnp.full((16,), h * HALF + e, jnp.int32)],
                                   acc)


WB = 8


def _dot_body(sidx_hbm, didx_hbm, emb_hbm, out_hbm,
              sidx, didx, ar0, br0, ar1, br1, lbuf, emb_sh,
              sema0, semb0, sema1, semb1):
    cid = lax.axis_index("c")
    sid = lax.axis_index("s")
    wid = cid * NS + sid
    pltpu.sync_copy(emb_hbm.at[pl.ds(sid * ROWS_PER_TILE, ROWS_PER_TILE)],
                    emb_sh.at[pl.ds(sid * ROWS_PER_TILE, ROWS_PER_TILE)])
    plsc.subcore_barrier()
    lanes = lax.iota(jnp.int32, 16)

    @pl.loop(0, NG1)
    def _(g):
        pltpu.sync_copy(sidx_hbm.at[pl.ds(wid * K + g * G1, G1)], sidx)
        pltpu.sync_copy(didx_hbm.at[pl.ds(wid * K + g * G1, G1)], didx)

        @pl.loop(0, G1 // WB)
        def _(gg):
            j0 = gg * WB
            pltpu.async_copy(emb_sh.at[sidx.at[j0, pl.ds(0, HALF)]], ar0, sema0)
            pltpu.async_copy(emb_sh.at[didx.at[j0, pl.ds(0, HALF)]], br0, semb0)

            @pl.loop(0, WB)
            def _(jc):
                j = j0 + jc
                pltpu.async_copy(emb_sh.at[sidx.at[j, pl.ds(HALF, HALF)]],
                                 ar1, sema1)
                pltpu.async_copy(emb_sh.at[didx.at[j, pl.ds(HALF, HALF)]],
                                 br1, semb1)
                pltpu.make_async_copy(emb_sh.at[sidx.at[j, pl.ds(0, HALF)]],
                                      ar0, sema0).wait()
                pltpu.make_async_copy(emb_sh.at[didx.at[j, pl.ds(0, HALF)]],
                                      br0, semb0).wait()
                _dot_half(jc, 0, ar0, br0, lbuf)

                @pl.when(jc + 1 < WB)
                def _():
                    pltpu.async_copy(emb_sh.at[sidx.at[j + 1, pl.ds(0, HALF)]],
                                     ar0, sema0)
                    pltpu.async_copy(emb_sh.at[didx.at[j + 1, pl.ds(0, HALF)]],
                                     br0, semb0)

                pltpu.make_async_copy(emb_sh.at[sidx.at[j, pl.ds(HALF, HALF)]],
                                      ar1, sema1).wait()
                pltpu.make_async_copy(emb_sh.at[didx.at[j, pl.ds(HALF, HALF)]],
                                      br1, semb1).wait()
                _dot_half(jc, 1, ar1, br1, lbuf)

            pltpu.sync_copy(lbuf, out_hbm.at[wid].at[g * (G1 // WB) + gg])


@jax.jit
def _edge_dot(sidx, didx, emb_pad):
    kern = pl.kernel(
        _dot_body,
        out_type=jax.ShapeDtypeStruct((NW, K // WB, WB, CHUNK), jnp.float32),
        mesh=_mesh,
        scratch_types=[
            pltpu.VMEM((G1, CHUNK), jnp.int32),
            pltpu.VMEM((G1, CHUNK), jnp.int32),
            pltpu.VMEM((HALF, D), jnp.float32),
            pltpu.VMEM((HALF, D), jnp.float32),
            pltpu.VMEM((HALF, D), jnp.float32),
            pltpu.VMEM((HALF, D), jnp.float32),
            pltpu.VMEM((WB, CHUNK), jnp.float32),
            pltpu.VMEM_SHARED((N_ROWS, D), jnp.float32),
            pltpu.SemaphoreType.DMA,
            pltpu.SemaphoreType.DMA,
            pltpu.SemaphoreType.DMA,
            pltpu.SemaphoreType.DMA,
        ],
        compiler_params=_sc_params,
    )
    return kern(sidx, didx, emb_pad)


def kernel(x, edge_index, W_conv, W_head, b_head):
    src = edge_index[0].astype(jnp.int32)
    dst = edge_index[1].astype(jnp.int32)
    pad = E_PAD - N_EDGES
    srcp = jnp.concatenate([src, jnp.zeros((pad,), jnp.int32)]).reshape(NW, K, CHUNK)
    dstp = jnp.concatenate([dst, jnp.full((pad,), PAD_DST, jnp.int32)]).reshape(NW, K, CHUNK)
    srcg = srcp.reshape(NCHUNKS, CHUNK)
    dstg = dstp.reshape(NCHUNKS, CHUNK)
    agg = _segsum(srcg, dstg, x)
    emb = _mlp(x, agg[0, :N_NODES], agg[1, :N_NODES], W_conv, W_head, b_head)
    emb_pad = jnp.pad(emb, ((0, N_ROWS - N_NODES), (0, 0)))
    logits = _edge_dot(srcg, dstg, emb_pad).reshape(-1)[:N_EDGES]
    return emb, logits

# --- scband reference (transcript-rebuilt; emitter-appended) ---
"""Pipeline reference for scband-link-prediction-mixin-33131377721894 (READ-ONLY COPY).

The authoritative reference and input builder live on the scoring server;
editing this copy changes nothing except your own understanding.
"""

import jax, jax.numpy as jnp
import numpy as np

N_NODES = 10000
N_EDGES = 320000
D_FEAT = 128


def setup_inputs(seed: int = 0) -> dict:
    key = jax.random.key(seed)
    k1, k2, k3, k4, k5 = jax.random.split(key, 5)
    x = jax.random.normal(k1, (N_NODES, D_FEAT), dtype=jnp.float32)
    edge_index = jax.random.randint(k2, (2, N_EDGES), 0, N_NODES, dtype=jnp.int64)
    # learned params: GNN conv weight (self.model, one SAGE/GCN-like layer) and classification head
    W_conv = jax.random.normal(k3, (D_FEAT, D_FEAT), dtype=jnp.float32) * 0.05
    W_head = jax.random.normal(k4, (D_FEAT, D_FEAT), dtype=jnp.float32) * 0.05
    b_head = jax.random.normal(k5, (D_FEAT,), dtype=jnp.float32) * 0.05
    return {"x": x, "edge_index": edge_index, "W_conv": W_conv, "W_head": W_head, "b_head": b_head}


def reference(x, edge_index, W_conv, W_head, b_head):
    src = edge_index[0]
    dst = edge_index[1]
    # self.model(x, edge_index): one message-passing layer
    # gather neighbor features along edges, scatter-add into destination nodes
    msgs = jnp.take(x, src, axis=0)
    agg = jax.ops.segment_sum(msgs, dst, num_segments=N_NODES)
    h = jax.nn.relu((x + agg) @ W_conv)
    # self.classification_head(x)
    node_embeddings = h @ W_head + b_head
    # per-edge dot product logits
    A = edge_index[0]
    B = edge_index[1]
    logits = (jnp.take(node_embeddings, A, axis=0) * jnp.take(node_embeddings, B, axis=0)).sum(-1)
    return node_embeddings, logits

if __name__ == "__main__":
    import jax
    _d = setup_inputs()
    print(jax.jit(kernel)(*tuple(_d.values())))

</pallas_src>

<mosaic_0001>
#map = affine_map<(d0, d1) -> (0, 0)>
#map1 = affine_map<(d0, d1) -> (0, 0, 0)>
module attributes {stable_mosaic.version = 14 : i64} {
  func.func @_segsum_body(%arg0: i32, %arg1: i32, %arg2: memref<2560x128xi32, #tpu.memory_space<hbm>>, %arg3: memref<2560x128xi32, #tpu.memory_space<hbm>>, %arg4: memref<10000x128xf32, #tpu.memory_space<hbm>>, %arg5: memref<10112x128xf32, #tpu.memory_space<hbm>>, %arg6: memref<2x10112x128xf32, #tpu.memory_space<hbm>>, %arg7: memref<16x128xi32, #tpu.memory_space<vmem>>, %arg8: memref<16x128xi32, #tpu.memory_space<vmem>>, %arg9: memref<128x128xf32, #tpu.memory_space<vmem>>, %arg10: memref<128x128xf32, #tpu.memory_space<vmem>>, %arg11: memref<10112x128xf32, #tpu.memory_space<vmem_shared>>, %arg12: memref<!tpu.dma_semaphore, #tpu.memory_space<semaphore_mem>>, %arg13: memref<!tpu.dma_semaphore, #tpu.memory_space<semaphore_mem>>) attributes {dimension_semantics = [#tpu.dimension_semantics<core_parallel>, #tpu.dimension_semantics<subcore_parallel>], iteration_bounds = array<i64: 2, 16>, scalar_prefetch = 0 : i64, scratch_operands = 7 : i64, tpu.core_type = #tpu.core_type<sc_vector_subcore>, window_params = [{transform_indices = #map}, {transform_indices = #map}, {transform_indices = #map}, {transform_indices = #map}, {transform_indices = #map1}]} {
    %mul3A = arith.constant 632 : i32
    %mul3A_0 = arith.muli %arg1, %mul3A : i32
    %mul3A_1 = arith.constant 632 : i32
    %mul3A_2 = arith.muli %arg1, %mul3A_1 : i32
    "tpu.region"() ({
      %run_scoped3A = tpu.sem_alloc : memref<!tpu.dma_semaphore, #tpu.memory_space<semaphore_mem>>
      %dma_start3A = arith.constant 0 : i32
      %dma_start3A_34 = tpu.memref_slice %arg11[%mul3A_2, %dma_start3A] : memref<10112x128xf32, #tpu.memory_space<vmem_shared>> -> memref<632x128xf32, #tpu.memory_space<vmem_shared>>
      %dma_start3A_35 = arith.constant 0 : i32
      %dma_start3A_36 = tpu.memref_slice %arg5[%mul3A_0, %dma_start3A_35] : memref<10112x128xf32, #tpu.memory_space<hbm>> -> memref<632x128xf32, #tpu.memory_space<hbm>>
      tpu.enqueue_dma source(%dma_start3A_36 : memref<632x128xf32, #tpu.memory_space<hbm>>) target(%dma_start3A_34 : memref<632x128xf32, #tpu.memory_space<vmem_shared>>) target_semaphore(%run_scoped3A : memref<!tpu.dma_semaphore, #tpu.memory_space<semaphore_mem>>)
      %dma_wait3A = arith.constant 0 : i32
      %dma_wait3A_37 = tpu.memref_slice %arg11[%mul3A_2, %dma_wait3A] : memref<10112x128xf32, #tpu.memory_space<vmem_shared>> -> memref<632x128xf32, #tpu.memory_space<vmem_shared>>
      %dma_wait3A_38 = arith.constant 0 : i32
      %dma_wait3A_39 = tpu.memref_slice %arg5[%mul3A_0, %dma_wait3A_38] : memref<10112x128xf32, #tpu.memory_space<hbm>> -> memref<632x128xf32, #tpu.memory_space<hbm>>
      tpu.wait_dma2 semaphore(%run_scoped3A : memref<!tpu.dma_semaphore, #tpu.memory_space<semaphore_mem>>) src(%dma_wait3A_39 : memref<632x128xf32, #tpu.memory_space<hbm>>) dst(%dma_wait3A_37 : memref<632x128xf32, #tpu.memory_space<vmem_shared>>)
      tpu.yield
    }) : () -> ()
    %barrier3A = arith.constant 0 : index
    tpu.barrier barrier_id(%barrier3A)
    %eq3A = arith.constant 0 : i32
    %eq3A_3 = arith.cmpi eq, %arg0, %eq3A : i32
    %mul3A_4 = arith.constant 128 : i32
    %mul3A_5 = arith.muli %arg1, %mul3A_4 : i32
    %mul3A_6 = arith.constant 32 : i32
    %mul3A_7 = arith.muli %arg1, %mul3A_6 : i32
    %add3A = arith.constant 2048 : i32
    %add3A_8 = arith.addi %add3A, %mul3A_7 : i32
    %select_n3A = arith.select %eq3A_3, %mul3A_5, %add3A_8 : i32
    %eq3A_9 = arith.constant 0 : i32
    %eq3A_10 = arith.cmpi eq, %arg0, %eq3A_9 : i32
    %jit3A = arith.constant 8 : i32
    %jit3A_11 = arith.constant 2 : i32
    %select_n3A_12 = arith.select %eq3A_10, %jit3A, %jit3A_11 : i32
    %sub3A = arith.constant 0 : i32
    %sub3A_13 = arith.subi %select_n3A_12, %sub3A : i32
    %sub3A_14 = arith.constant 1 : i32
    %sub3A_15 = arith.constant 1 : i32
    %sub3A_16 = arith.subi %sub3A_14, %sub3A_15 : i32
    %add3A_17 = arith.addi %sub3A_13, %sub3A_16 : i32
    %div3A = arith.constant 1 : i32
    %div3A_18 = arith.divsi %add3A_17, %div3A : i32
    %while3A = arith.constant 1 : i32
    %while3A_19 = arith.constant 0 : i32
    %while3A_20 = arith.constant 0 : i32
    %while3A_21 = arith.subi %div3A_18, %while3A_20 : i32
    %while3A_22 = arith.addi %while3A_20, %while3A_21 : i32
    %while3A_23 = arith.constant 1 : i32
    %while3A_24 = arith.divsi %while3A_21, %while3A_23 : i32
    %while3A_25 = arith.muli %while3A_24, %while3A_23 : i32
    %while3A_26 = arith.addi %while3A_20, %while3A_25 : i32
    %while3A_27 = arith.constant 1 : i32
    scf.for %while3A_34 = %while3A_20 to %while3A_26 step %while3A_27  : i32 {
      %mul3A_35 = arith.muli %while3A_34, %while3A : i32
      %add3A_36 = arith.addi %while3A_19, %mul3A_35 : i32
      %mul3A_37 = arith.constant 16 : i32
      %mul3A_38 = arith.muli %add3A_36, %mul3A_37 : i32
      %add3A_39 = arith.addi %select_n3A, %mul3A_38 : i32
      "tpu.region"() ({
        %run_scoped3A = tpu.sem_alloc : memref<!tpu.dma_semaphore, #tpu.memory_space<semaphore_mem>>
        %dma_start3A = arith.constant 0 : i32
        %dma_start3A_47 = tpu.memref_slice %arg2[%add3A_39, %dma_start3A] : memref<2560x128xi32, #tpu.memory_space<hbm>> -> memref<16x128xi32, #tpu.memory_space<hbm>>
        %dma_start3A_48 = arith.constant 0 : i32
        %dma_start3A_49 = tpu.memref_slice %arg2[%add3A_39, %dma_start3A_48] : memref<2560x128xi32, #tpu.memory_space<hbm>> -> memref<16x128xi32, #tpu.memory_space<hbm>>
        tpu.enqueue_dma source(%dma_start3A_49 : memref<16x128xi32, #tpu.memory_space<hbm>>) target(%arg7 : memref<16x128xi32, #tpu.memory_space<vmem>>) target_semaphore(%run_scoped3A : memref<!tpu.dma_semaphore, #tpu.memory_space<semaphore_mem>>)
        %dma_wait3A = arith.constant 0 : i32
        %dma_wait3A_50 = tpu.memref_slice %arg2[%add3A_39, %dma_wait3A] : memref<2560x128xi32, #tpu.memory_space<hbm>> -> memref<16x128xi32, #tpu.memory_space<hbm>>
        %dma_wait3A_51 = arith.constant 0 : i32
        %dma_wait3A_52 = tpu.memref_slice %arg2[%add3A_39, %dma_wait3A_51] : memref<2560x128xi32, #tpu.memory_space<hbm>> -> memref<16x128xi32, #tpu.memory_space<hbm>>
        tpu.wait_dma2 semaphore(%run_scoped3A : memref<!tpu.dma_semaphore, #tpu.memory_space<semaphore_mem>>) src(%dma_wait3A_52 : memref<16x128xi32, #tpu.memory_space<hbm>>) dst(%arg7 : memref<16x128xi32, #tpu.memory_space<vmem>>)
        tpu.yield
      }) : () -> ()
      %mul3A_40 = arith.constant 16 : i32
      %mul3A_41 = arith.muli %add3A_36, %mul3A_40 : i32
      %add3A_42 = arith.addi %select_n3A, %mul3A_41 : i32
      "tpu.region"() ({
        %run_scoped3A = tpu.sem_alloc : memref<!tpu.dma_semaphore, #tpu.memory_space<semaphore_mem>>
        %dma_start3A = arith.constant 0 : i32
        %dma_start3A_47 = tpu.memref_slice %arg3[%add3A_42, %dma_start3A] : memref<2560x128xi32, #tpu.memory_space<hbm>> -> memref<16x128xi32, #tpu.memory_space<hbm>>
        %dma_start3A_48 = arith.constant 0 : i32
        %dma_start3A_49 = tpu.memref_slice %arg3[%add3A_42, %dma_start3A_48] : memref<2560x128xi32, #tpu.memory_space<hbm>> -> memref<16x128xi32, #tpu.memory_space<hbm>>
        tpu.enqueue_dma source(%dma_start3A_49 : memref<16x128xi32, #tpu.memory_space<hbm>>) target(%arg8 : memref<16x128xi32, #tpu.memory_space<vmem>>) target_semaphore(%run_scoped3A : memref<!tpu.dma_semaphore, #tpu.memory_space<semaphore_mem>>)
        %dma_wait3A = arith.constant 0 : i32
        %dma_wait3A_50 = tpu.memref_slice %arg3[%add3A_42, %dma_wait3A] : memref<2560x128xi32, #tpu.memory_space<hbm>> -> memref<16x128xi32, #tpu.memory_space<hbm>>
        %dma_wait3A_51 = arith.constant 0 : i32
        %dma_wait3A_52 = tpu.memref_slice %arg3[%add3A_42, %dma_wait3A_51] : memref<2560x128xi32, #tpu.memory_space<hbm>> -> memref<16x128xi32, #tpu.memory_space<hbm>>
        tpu.wait_dma2 semaphore(%run_scoped3A : memref<!tpu.dma_semaphore, #tpu.memory_space<semaphore_mem>>) src(%dma_wait3A_52 : memref<16x128xi32, #tpu.memory_space<hbm>>) dst(%arg8 : memref<16x128xi32, #tpu.memory_space<vmem>>)
        tpu.yield
      }) : () -> ()
      %scan3A = arith.constant 0 : i32
      %scan3A_43 = arith.constant 8 : i32
      %scan3A_44 = arith.addi %scan3A, %scan3A_43 : i32
      %scan3A_45 = arith.constant 1 : i32
      scf.for %scan3A_47 = %scan3A to %scan3A_44 step %scan3A_45  : i32 {
        %mul3A_48 = arith.constant 2 : i32
        %mul3A_49 = arith.muli %scan3A_47, %mul3A_48 : i32
        %add3A_50 = arith.constant 0 : i32
        %add3A_51 = arith.addi %add3A_50, %mul3A_49 : i32
        %dma_start3A = arith.constant 0 : i32
        %dma_start3A_52 = tpu.memref_slice %arg7[%add3A_51, %dma_start3A] : memref<16x128xi32, #tpu.memory_space<vmem>> -> memref<1x128xi32, #tpu.memory_space<vmem>>
        %dma_start3A_53 = tpu.memref_squeeze %dma_start3A_52 : memref<1x128xi32, #tpu.memory_space<vmem>> -> memref<128xi32, #tpu.memory_space<vmem>>
        %dma_start3A_54 = arith.constant 0 : i32
        %dma_start3A_55 = arith.constant 0 : i32
        %dma_start3A_56 = tpu.memref_slice %arg4[%dma_start3A_54, %dma_start3A_55] : memref<10000x128xf32, #tpu.memory_space<hbm>> -> memref<10000x128xf32, #tpu.memory_space<hbm>>
        tpu.enqueue_indirect_dma source(%dma_start3A_56 : memref<10000x128xf32, #tpu.memory_space<hbm>>) target(%arg9 : memref<128x128xf32, #tpu.memory_space<vmem>>) offsets(%dma_start3A_53 : memref<128xi32, #tpu.memory_space<vmem>>) semaphore(%arg12 : memref<!tpu.dma_semaphore, #tpu.memory_space<semaphore_mem>>)
        %add3A_57 = arith.constant 1 : i32
        %add3A_58 = arith.addi %add3A_51, %add3A_57 : i32
        %dma_start3A_59 = arith.constant 0 : i32
        %dma_start3A_60 = tpu.memref_slice %arg7[%add3A_58, %dma_start3A_59] : memref<16x128xi32, #tpu.memory_space<vmem>> -> memref<1x128xi32, #tpu.memory_space<vmem>>
        %dma_start3A_61 = tpu.memref_squeeze %dma_start3A_60 : memref<1x128xi32, #tpu.memory_space<vmem>> -> memref<128xi32, #tpu.memory_space<vmem>>
        %dma_start3A_62 = arith.constant 0 : i32
        %dma_start3A_63 = arith.constant 0 : i32
        %dma_start3A_64 = tpu.memref_slice %arg4[%dma_start3A_62, %dma_start3A_63] : memref<10000x128xf32, #tpu.memory_space<hbm>> -> memref<10000x128xf32, #tpu.memory_space<hbm>>
        tpu.enqueue_indirect_dma source(%dma_start3A_64 : memref<10000x128xf32, #tpu.memory_space<hbm>>) target(%arg10 : memref<128x128xf32, #tpu.memory_space<vmem>>) offsets(%dma_start3A_61 : memref<128xi32, #tpu.memory_space<vmem>>) semaphore(%arg13 : memref<!tpu.dma_semaphore, #tpu.memory_space<semaphore_mem>>)
        %dma_wait3A = arith.constant 0 : i32
        %dma_wait3A_65 = tpu.memref_slice %arg7[%add3A_51, %dma_wait3A] : memref<16x128xi32, #tpu.memory_space<vmem>> -> memref<1x128xi32, #tpu.memory_space<vmem>>
        %dma_wait3A_66 = tpu.memref_squeeze %dma_wait3A_65 : memref<1x128xi32, #tpu.memory_space<vmem>> -> memref<128xi32, #tpu.memory_space<vmem>>
        %dma_wait3A_67 = arith.constant 0 : i32
        %dma_wait3A_68 = arith.constant 0 : i32
        %dma_wait3A_69 = tpu.memref_slice %arg4[%dma_wait3A_67, %dma_wait3A_68] : memref<10000x128xf32, #tpu.memory_space<hbm>> -> memref<10000x128xf32, #tpu.memory_space<hbm>>
        tpu.wait_indirect_dma semaphore(%arg12 : memref<!tpu.dma_semaphore, #tpu.memory_space<semaphore_mem>>) src(%dma_wait3A_69 : memref<10000x128xf32, #tpu.memory_space<hbm>>) dst(%arg9 : memref<128x128xf32, #tpu.memory_space<vmem>>)
        "tpu.region"() ({
          %run_scoped3A = tpu.sem_alloc : memref<!tpu.dma_semaphore, #tpu.memory_space<semaphore_mem>>
          %dma_start3A_78 = arith.constant 0 : i32
          %dma_start3A_79 = tpu.memref_slice %arg8[%add3A_51, %dma_start3A_78] : memref<16x128xi32, #tpu.memory_space<vmem>> -> memref<1x128xi32, #tpu.memory_space<vmem>>
          %dma_start3A_80 = tpu.memref_squeeze %dma_start3A_79 : memref<1x128xi32, #tpu.memory_space<vmem>> -> memref<128xi32, #tpu.memory_space<vmem>>
          %dma_start3A_81 = arith.constant 0 : i32
          %dma_start3A_82 = arith.constant 0 : i32
          %dma_start3A_83 = tpu.memref_slice %arg11[%dma_start3A_81, %dma_start3A_82] : memref<10112x128xf32, #tpu.memory_space<vmem_shared>> -> memref<10112x128xf32, #tpu.memory_space<vmem_shared>>
          tpu.enqueue_indirect_dma source(%arg9 : memref<128x128xf32, #tpu.memory_space<vmem>>) target(%dma_start3A_83 : memref<10112x128xf32, #tpu.memory_space<vmem_shared>>) offsets(%dma_start3A_80 : memref<128xi32, #tpu.memory_space<vmem>>) semaphore(%run_scoped3A : memref<!tpu.dma_semaphore, #tpu.memory_space<semaphore_mem>>) {add = true}
          %dma_wait3A_84 = arith.constant 0 : i32
          %dma_wait3A_85 = tpu.memref_slice %arg8[%add3A_51, %dma_wait3A_84] : memref<16x128xi32, #tpu.memory_space<vmem>> -> memref<1x128xi32, #tpu.memory_space<vmem>>
          %dma_wait3A_86 = tpu.memref_squeeze %dma_wait3A_85 : memref<1x128xi32, #tpu.memory_space<vmem>> -> memref<128xi32, #tpu.memory_space<vmem>>
          %dma_wait3A_87 = arith.constant 0 : i32
          %dma_wait3A_88 = arith.constant 0 : i32
          %dma_wait3A_89 = tpu.memref_slice %arg11[%dma_wait3A_87, %dma_wait3A_88] : memref<10112x128xf32, #tpu.memory_space<vmem_shared>> -> memref<10112x128xf32, #tpu.memory_space<vmem_shared>>
          tpu.wait_indirect_dma semaphore(%run_scoped3A : memref<!tpu.dma_semaphore, #tpu.memory_space<semaphore_mem>>) src(%arg9 : memref<128x128xf32, #tpu.memory_space<vmem>>) dst(%dma_wait3A_89 : memref<10112x128xf32, #tpu.memory_space<vmem_shared>>)
          tpu.yield
        }) : () -> ()
        %dma_wait3A_70 = arith.constant 0 : i32
        %dma_wait3A_71 = tpu.memref_slice %arg7[%add3A_58, %dma_wait3A_70] : memref<16x128xi32, #tpu.memory_space<vmem>> -> memref<1x128xi32, #tpu.memory_space<vmem>>
        %dma_wait3A_72 = tpu.memref_squeeze %dma_wait3A_71 : memref<1x128xi32, #tpu.memory_space<vmem>> -> memref<128xi32, #tpu.memory_space<vmem>>
        %dma_wait3A_73 = arith.constant 0 : i32
        %dma_wait3A_74 = arith.constant 0 : i32
        %dma_wait3A_75 = tpu.memref_slice %arg4[%dma_wait3A_73, %dma_wait3A_74] : memref<10000x128xf32, #tpu.memory_space<hbm>> -> memref<10000x128xf32, #tpu.memory_space<hbm>>
        tpu.wait_indirect_dma semaphore(%arg13 : memref<!tpu.dma_semaphore, #tpu.memory_space<semaphore_mem>>) src(%dma_wait3A_75 : memref<10000x128xf32, #tpu.memory_space<hbm>>) dst(%arg10 : memref<128x128xf32, #tpu.memory_space<vmem>>)
        %add3A_76 = arith.constant 1 : i32
        %add3A_77 = arith.addi %add3A_51, %add3A_76 : i32
        "tpu.region"() ({
          %run_scoped3A = tpu.sem_alloc : memref<!tpu.dma_semaphore, #tpu.memory_space<semaphore_mem>>
          %dma_start3A_78 = arith.constant 0 : i32
          %dma_start3A_79 = tpu.memref_slice %arg8[%add3A_77, %dma_start3A_78] : memref<16x128xi32, #tpu.memory_space<vmem>> -> memref<1x128xi32, #tpu.memory_space<vmem>>
          %dma_start3A_80 = tpu.memref_squeeze %dma_start3A_79 : memref<1x128xi32, #tpu.memory_space<vmem>> -> memref<128xi32, #tpu.memory_space<vmem>>
          %dma_start3A_81 = arith.constant 0 : i32
          %dma_start3A_82 = arith.constant 0 : i32
          %dma_start3A_83 = tpu.memref_slice %arg11[%dma_start3A_81, %dma_start3A_82] : memref<10112x128xf32, #tpu.memory_space<vmem_shared>> -> memref<10112x128xf32, #tpu.memory_space<vmem_shared>>
          tpu.enqueue_indirect_dma source(%arg10 : memref<128x128xf32, #tpu.memory_space<vmem>>) target(%dma_start3A_83 : memref<10112x128xf32, #tpu.memory_space<vmem_shared>>) offsets(%dma_start3A_80 : memref<128xi32, #tpu.memory_space<vmem>>) semaphore(%run_scoped3A : memref<!tpu.dma_semaphore, #tpu.memory_space<semaphore_mem>>) {add = true}
          %dma_wait3A_84 = arith.constant 0 : i32
          %dma_wait3A_85 = tpu.memref_slice %arg8[%add3A_77, %dma_wait3A_84] : memref<16x128xi32, #tpu.memory_space<vmem>> -> memref<1x128xi32, #tpu.memory_space<vmem>>
          %dma_wait3A_86 = tpu.memref_squeeze %dma_wait3A_85 : memref<1x128xi32, #tpu.memory_space<vmem>> -> memref<128xi32, #tpu.memory_space<vmem>>
          %dma_wait3A_87 = arith.constant 0 : i32
          %dma_wait3A_88 = arith.constant 0 : i32
          %dma_wait3A_89 = tpu.memref_slice %arg11[%dma_wait3A_87, %dma_wait3A_88] : memref<10112x128xf32, #tpu.memory_space<vmem_shared>> -> memref<10112x128xf32, #tpu.memory_space<vmem_shared>>
          tpu.wait_indirect_dma semaphore(%run_scoped3A : memref<!tpu.dma_semaphore, #tpu.memory_space<semaphore_mem>>) src(%arg10 : memref<128x128xf32, #tpu.memory_space<vmem>>) dst(%dma_wait3A_89 : memref<10112x128xf32, #tpu.memory_space<vmem_shared>>)
          tpu.yield
        }) : () -> ()
      }
      %scan3A_46 = arith.constant 8 : i32
    }
    %while3A_28 = arith.constant 1 : i32
    scf.for %while3A_34 = %while3A_26 to %while3A_22 step %while3A_28  : i32 {
      %mul3A_35 = arith.muli %while3A_34, %while3A : i32
      %add3A_36 = arith.addi %while3A_19, %mul3A_35 : i32
      %mul3A_37 = arith.constant 16 : i32
      %mul3A_38 = arith.muli %add3A_36, %mul3A_37 : i32
      %add3A_39 = arith.addi %select_n3A, %mul3A_38 : i32
      "tpu.region"() ({
        %run_scoped3A = tpu.sem_alloc : memref<!tpu.dma_semaphore, #tpu.memory_space<semaphore_mem>>
        %dma_start3A = arith.constant 0 : i32
        %dma_start3A_47 = tpu.memref_slice %arg2[%add3A_39, %dma_start3A] : memref<2560x128xi32, #tpu.memory_space<hbm>> -> memref<16x128xi32, #tpu.memory_space<hbm>>
        %dma_start3A_48 = arith.constant 0 : i32
        %dma_start3A_49 = tpu.memref_slice %arg2[%add3A_39, %dma_start3A_48] : memref<2560x128xi32, #tpu.memory_space<hbm>> -> memref<16x128xi32, #tpu.memory_space<hbm>>
        tpu.enqueue_dma source(%dma_start3A_49 : memref<16x128xi32, #tpu.memory_space<hbm>>) target(%arg7 : memref<16x128xi32, #tpu.memory_space<vmem>>) target_semaphore(%run_scoped3A : memref<!tpu.dma_semaphore, #tpu.memory_space<semaphore_mem>>)
        %dma_wait3A = arith.constant 0 : i32
        %dma_wait3A_50 = tpu.memref_slice %arg2[%add3A_39, %dma_wait3A] : memref<2560x128xi32, #tpu.memory_space<hbm>> -> memref<16x128xi32, #tpu.memory_space<hbm>>
        %dma_wait3A_51 = arith.constant 0 : i32
        %dma_wait3A_52 = tpu.memref_slice %arg2[%add3A_39, %dma_wait3A_51] : memref<2560x128xi32, #tpu.memory_space<hbm>> -> memref<16x128xi32, #tpu.memory_space<hbm>>
        tpu.wait_dma2 semaphore(%run_scoped3A : memref<!tpu.dma_semaphore, #tpu.memory_space<semaphore_mem>>) src(%dma_wait3A_52 : memref<16x128xi32, #tpu.memory_space<hbm>>) dst(%arg7 : memref<16x128xi32, #tpu.memory_space<vmem>>)
        tpu.yield
      }) : () -> ()
      %mul3A_40 = arith.constant 16 : i32
      %mul3A_41 = arith.muli %add3A_36, %mul3A_40 : i32
      %add3A_42 = arith.addi %select_n3A, %mul3A_41 : i32
      "tpu.region"() ({
        %run_scoped3A = tpu.sem_alloc : memref<!tpu.dma_semaphore, #tpu.memory_space<semaphore_mem>>
        %dma_start3A = arith.constant 0 : i32
        %dma_start3A_47 = tpu.memref_slice %arg3[%add3A_42, %dma_start3A] : memref<2560x128xi32, #tpu.memory_space<hbm>> -> memref<16x128xi32, #tpu.memory_space<hbm>>
        %dma_start3A_48 = arith.constant 0 : i32
        %dma_start3A_49 = tpu.memref_slice %arg3[%add3A_42, %dma_start3A_48] : memref<2560x128xi32, #tpu.memory_space<hbm>> -> memref<16x128xi32, #tpu.memory_space<hbm>>
        tpu.enqueue_dma source(%dma_start3A_49 : memref<16x128xi32, #tpu.memory_space<hbm>>) target(%arg8 : memref<16x128xi32, #tpu.memory_space<vmem>>) target_semaphore(%run_scoped3A : memref<!tpu.dma_semaphore, #tpu.memory_space<semaphore_mem>>)
        %dma_wait3A = arith.constant 0 : i32
        %dma_wait3A_50 = tpu.memref_slice %arg3[%add3A_42, %dma_wait3A] : memref<2560x128xi32, #tpu.memory_space<hbm>> -> memref<16x128xi32, #tpu.memory_space<hbm>>
        %dma_wait3A_51 = arith.constant 0 : i32
        %dma_wait3A_52 = tpu.memref_slice %arg3[%add3A_42, %dma_wait3A_51] : memref<2560x128xi32, #tpu.memory_space<hbm>> -> memref<16x128xi32, #tpu.memory_space<hbm>>
        tpu.wait_dma2 semaphore(%run_scoped3A : memref<!tpu.dma_semaphore, #tpu.memory_space<semaphore_mem>>) src(%dma_wait3A_52 : memref<16x128xi32, #tpu.memory_space<hbm>>) dst(%arg8 : memref<16x128xi32, #tpu.memory_space<vmem>>)
        tpu.yield
      }) : () -> ()
      %scan3A = arith.constant 0 : i32
      %scan3A_43 = arith.constant 8 : i32
      %scan3A_44 = arith.addi %scan3A, %scan3A_43 : i32
      %scan3A_45 = arith.constant 1 : i32
      scf.for %scan3A_47 = %scan3A to %scan3A_44 step %scan3A_45  : i32 {
        %mul3A_48 = arith.constant 2 : i32
        %mul3A_49 = arith.muli %scan3A_47, %mul3A_48 : i32
        %add3A_50 = arith.constant 0 : i32
        %add3A_51 = arith.addi %add3A_50, %mul3A_49 : i32
        %dma_start3A = arith.constant 0 : i32
        %dma_start3A_52 = tpu.memref_slice %arg7[%add3A_51, %dma_start3A] : memref<16x128xi32, #tpu.memory_space<vmem>> -> memref<1x128xi32, #tpu.memory_space<vmem>>
        %dma_start3A_53 = tpu.memref_squeeze %dma_start3A_52 : memref<1x128xi32, #tpu.memory_space<vmem>> -> memref<128xi32, #tpu.memory_space<vmem>>
        %dma_start3A_54 = arith.constant 0 : i32
        %dma_start3A_55 = arith.constant 0 : i32
        %dma_start3A_56 = tpu.memref_slice %arg4[%dma_start3A_54, %dma_start3A_55] : memref<10000x128xf32, #tpu.memory_space<hbm>> -> memref<10000x128xf32, #tpu.memory_space<hbm>>
        tpu.enqueue_indirect_dma source(%dma_start3A_56 : memref<10000x128xf32, #tpu.memory_space<hbm>>) target(%arg9 : memref<128x128xf32, #tpu.memory_space<vmem>>) offsets(%dma_start3A_53 : memref<128xi32, #tpu.memory_space<vmem>>) semaphore(%arg12 : memref<!tpu.dma_semaphore, #tpu.memory_space<semaphore_mem>>)
        %add3A_57 = arith.constant 1 : i32
        %add3A_58 = arith.addi %add3A_51, %add3A_57 : i32
        %dma_start3A_59 = arith.constant 0 : i32
        %dma_start3A_60 = tpu.memref_slice %arg7[%add3A_58, %dma_start3A_59] : memref<16x128xi32, #tpu.memory_space<vmem>> -> memref<1x128xi32, #tpu.memory_space<vmem>>
        %dma_start3A_61 = tpu.memref_squeeze %dma_start3A_60 : memref<1x128xi32, #tpu.memory_space<vmem>> -> memref<128xi32, #tpu.memory_space<vmem>>
        %dma_start3A_62 = arith.constant 0 : i32
        %dma_start3A_63 = arith.constant 0 : i32
        %dma_start3A_64 = tpu.memref_slice %arg4[%dma_start3A_62, %dma_start3A_63] : memref<10000x128xf32, #tpu.memory_space<hbm>> -> memref<10000x128xf32, #tpu.memory_space<hbm>>
        tpu.enqueue_indirect_dma source(%dma_start3A_64 : memref<10000x128xf32, #tpu.memory_space<hbm>>) target(%arg10 : memref<128x128xf32, #tpu.memory_space<vmem>>) offsets(%dma_start3A_61 : memref<128xi32, #tpu.memory_space<vmem>>) semaphore(%arg13 : memref<!tpu.dma_semaphore, #tpu.memory_space<semaphore_mem>>)
        %dma_wait3A = arith.constant 0 : i32
        %dma_wait3A_65 = tpu.memref_slice %arg7[%add3A_51, %dma_wait3A] : memref<16x128xi32, #tpu.memory_space<vmem>> -> memref<1x128xi32, #tpu.memory_space<vmem>>
        %dma_wait3A_66 = tpu.memref_squeeze %dma_wait3A_65 : memref<1x128xi32, #tpu.memory_space<vmem>> -> memref<128xi32, #tpu.memory_space<vmem>>
        %dma_wait3A_67 = arith.constant 0 : i32
        %dma_wait3A_68 = arith.constant 0 : i32
        %dma_wait3A_69 = tpu.memref_slice %arg4[%dma_wait3A_67, %dma_wait3A_68] : memref<10000x128xf32, #tpu.memory_space<hbm>> -> memref<10000x128xf32, #tpu.memory_space<hbm>>
        tpu.wait_indirect_dma semaphore(%arg12 : memref<!tpu.dma_semaphore, #tpu.memory_space<semaphore_mem>>) src(%dma_wait3A_69 : memref<10000x128xf32, #tpu.memory_space<hbm>>) dst(%arg9 : memref<128x128xf32, #tpu.memory_space<vmem>>)
        "tpu.region"() ({
          %run_scoped3A = tpu.sem_alloc : memref<!tpu.dma_semaphore, #tpu.memory_space<semaphore_mem>>
          %dma_start3A_78 = arith.constant 0 : i32
          %dma_start3A_79 = tpu.memref_slice %arg8[%add3A_51, %dma_start3A_78] : memref<16x128xi32, #tpu.memory_space<vmem>> -> memref<1x128xi32, #tpu.memory_space<vmem>>
          %dma_start3A_80 = tpu.memref_squeeze %dma_start3A_79 : memref<1x128xi32, #tpu.memory_space<vmem>> -> memref<128xi32, #tpu.memory_space<vmem>>
          %dma_start3A_81 = arith.constant 0 : i32
          %dma_start3A_82 = arith.constant 0 : i32
          %dma_start3A_83 = tpu.memref_slice %arg11[%dma_start3A_81, %dma_start3A_82] : memref<10112x128xf32, #tpu.memory_space<vmem_shared>> -> memref<10112x128xf32, #tpu.memory_space<vmem_shared>>
          tpu.enqueue_indirect_dma source(%arg9 : memref<128x128xf32, #tpu.memory_space<vmem>>) target(%dma_start3A_83 : memref<10112x128xf32, #tpu.memory_space<vmem_shared>>) offsets(%dma_start3A_80 : memref<128xi32, #tpu.memory_space<vmem>>) semaphore(%run_scoped3A : memref<!tpu.dma_semaphore, #tpu.memory_space<semaphore_mem>>) {add = true}
          %dma_wait3A_84 = arith.constant 0 : i32
          %dma_wait3A_85 = tpu.memref_slice %arg8[%add3A_51, %dma_wait3A_84] : memref<16x128xi32, #tpu.memory_space<vmem>> -> memref<1x128xi32, #tpu.memory_space<vmem>>
          %dma_wait3A_86 = tpu.memref_squeeze %dma_wait3A_85 : memref<1x128xi32, #tpu.memory_space<vmem>> -> memref<128xi32, #tpu.memory_space<vmem>>
          %dma_wait3A_87 = arith.constant 0 : i32
          %dma_wait3A_88 = arith.constant 0 : i32
          %dma_wait3A_89 = tpu.memref_slice %arg11[%dma_wait3A_87, %dma_wait3A_88] : memref<10112x128xf32, #tpu.memory_space<vmem_shared>> -> memref<10112x128xf32, #tpu.memory_space<vmem_shared>>
          tpu.wait_indirect_dma semaphore(%run_scoped3A : memref<!tpu.dma_semaphore, #tpu.memory_space<semaphore_mem>>) src(%arg9 : memref<128x128xf32, #tpu.memory_space<vmem>>) dst(%dma_wait3A_89 : memref<10112x128xf32, #tpu.memory_space<vmem_shared>>)
          tpu.yield
        }) : () -> ()
        %dma_wait3A_70 = arith.constant 0 : i32
        %dma_wait3A_71 = tpu.memref_slice %arg7[%add3A_58, %dma_wait3A_70] : memref<16x128xi32, #tpu.memory_space<vmem>> -> memref<1x128xi32, #tpu.memory_space<vmem>>
        %dma_wait3A_72 = tpu.memref_squeeze %dma_wait3A_71 : memref<1x128xi32, #tpu.memory_space<vmem>> -> memref<128xi32, #tpu.memory_space<vmem>>
        %dma_wait3A_73 = arith.constant 0 : i32
        %dma_wait3A_74 = arith.constant 0 : i32
        %dma_wait3A_75 = tpu.memref_slice %arg4[%dma_wait3A_73, %dma_wait3A_74] : memref<10000x128xf32, #tpu.memory_space<hbm>> -> memref<10000x128xf32, #tpu.memory_space<hbm>>
        tpu.wait_indirect_dma semaphore(%arg13 : memref<!tpu.dma_semaphore, #tpu.memory_space<semaphore_mem>>) src(%dma_wait3A_75 : memref<10000x128xf32, #tpu.memory_space<hbm>>) dst(%arg10 : memref<128x128xf32, #tpu.memory_space<vmem>>)
        %add3A_76 = arith.constant 1 : i32
        %add3A_77 = arith.addi %add3A_51, %add3A_76 : i32
        "tpu.region"() ({
          %run_scoped3A = tpu.sem_alloc : memref<!tpu.dma_semaphore, #tpu.memory_space<semaphore_mem>>
          %dma_start3A_78 = arith.constant 0 : i32
          %dma_start3A_79 = tpu.memref_slice %arg8[%add3A_77, %dma_start3A_78] : memref<16x128xi32, #tpu.memory_space<vmem>> -> memref<1x128xi32, #tpu.memory_space<vmem>>
          %dma_start3A_80 = tpu.memref_squeeze %dma_start3A_79 : memref<1x128xi32, #tpu.memory_space<vmem>> -> memref<128xi32, #tpu.memory_space<vmem>>
          %dma_start3A_81 = arith.constant 0 : i32
          %dma_start3A_82 = arith.constant 0 : i32
          %dma_start3A_83 = tpu.memref_slice %arg11[%dma_start3A_81, %dma_start3A_82] : memref<10112x128xf32, #tpu.memory_space<vmem_shared>> -> memref<10112x128xf32, #tpu.memory_space<vmem_shared>>
          tpu.enqueue_indirect_dma source(%arg10 : memref<128x128xf32, #tpu.memory_space<vmem>>) target(%dma_start3A_83 : memref<10112x128xf32, #tpu.memory_space<vmem_shared>>) offsets(%dma_start3A_80 : memref<128xi32, #tpu.memory_space<vmem>>) semaphore(%run_scoped3A : memref<!tpu.dma_semaphore, #tpu.memory_space<semaphore_mem>>) {add = true}
          %dma_wait3A_84 = arith.constant 0 : i32
          %dma_wait3A_85 = tpu.memref_slice %arg8[%add3A_77, %dma_wait3A_84] : memref<16x128xi32, #tpu.memory_space<vmem>> -> memref<1x128xi32, #tpu.memory_space<vmem>>
          %dma_wait3A_86 = tpu.memref_squeeze %dma_wait3A_85 : memref<1x128xi32, #tpu.memory_space<vmem>> -> memref<128xi32, #tpu.memory_space<vmem>>
          %dma_wait3A_87 = arith.constant 0 : i32
          %dma_wait3A_88 = arith.constant 0 : i32
          %dma_wait3A_89 = tpu.memref_slice %arg11[%dma_wait3A_87, %dma_wait3A_88] : memref<10112x128xf32, #tpu.memory_space<vmem_shared>> -> memref<10112x128xf32, #tpu.memory_space<vmem_shared>>
          tpu.wait_indirect_dma semaphore(%run_scoped3A : memref<!tpu.dma_semaphore, #tpu.memory_space<semaphore_mem>>) src(%arg10 : memref<128x128xf32, #tpu.memory_space<vmem>>) dst(%dma_wait3A_89 : memref<10112x128xf32, #tpu.memory_space<vmem_shared>>)
          tpu.yield
        }) : () -> ()
      }
      %scan3A_46 = arith.constant 8 : i32
    }
    %barrier3A_29 = arith.constant 0 : index
    tpu.barrier barrier_id(%barrier3A_29)
    %mul3A_30 = arith.constant 632 : i32
    %mul3A_31 = arith.muli %arg1, %mul3A_30 : i32
    %mul3A_32 = arith.constant 632 : i32
    %mul3A_33 = arith.muli %arg1, %mul3A_32 : i32
    "tpu.region"() ({
      %run_scoped3A = tpu.sem_alloc : memref<!tpu.dma_semaphore, #tpu.memory_space<semaphore_mem>>
      %dma_start3A = arith.constant 0 : i32
      %dma_start3A_34 = arith.constant 0 : i32
      %dma_start3A_35 = tpu.memref_slice %arg6[%arg0, %dma_start3A, %dma_start3A_34] : memref<2x10112x128xf32, #tpu.memory_space<hbm>> -> memref<1x10112x128xf32, #tpu.memory_space<hbm>>
      %dma_start3A_36 = tpu.memref_squeeze %dma_start3A_35 : memref<1x10112x128xf32, #tpu.memory_space<hbm>> -> memref<10112x128xf32, #tpu.memory_space<hbm>>
      %dma_start3A_37 = arith.constant 0 : i32
      %dma_start3A_38 = tpu.memref_slice %dma_start3A_36[%mul3A_33, %dma_start3A_37] : memref<10112x128xf32, #tpu.memory_space<hbm>> -> memref<632x128xf32, #tpu.memory_space<hbm>>
      %dma_start3A_39 = arith.constant 0 : i32
      %dma_start3A_40 = tpu.memref_slice %arg11[%mul3A_31, %dma_start3A_39] : memref<10112x128xf32, #tpu.memory_space<vmem_shared>> -> memref<632x128xf32, #tpu.memory_space<vmem_shared>>
      tpu.enqueue_dma source(%dma_start3A_40 : memref<632x128xf32, #tpu.memory_space<vmem_shared>>) target(%dma_start3A_38 : memref<632x128xf32, #tpu.memory_space<hbm>>) target_semaphore(%run_scoped3A : memref<!tpu.dma_semaphore, #tpu.memory_space<semaphore_mem>>)
      %dma_wait3A = arith.constant 0 : i32
      %dma_wait3A_41 = arith.constant 0 : i32
      %dma_wait3A_42 = tpu.memref_slice %arg6[%arg0, %dma_wait3A, %dma_wait3A_41] : memref<2x10112x128xf32, #tpu.memory_space<hbm>> -> memref<1x10112x128xf32, #tpu.memory_space<hbm>>
      %dma_wait3A_43 = tpu.memref_squeeze %dma_wait3A_42 : memref<1x10112x128xf32, #tpu.memory_space<hbm>> -> memref<10112x128xf32, #tpu.memory_space<hbm>>
      %dma_wait3A_44 = arith.constant 0 : i32
      %dma_wait3A_45 = tpu.memref_slice %dma_wait3A_43[%mul3A_33, %dma_wait3A_44] : memref<10112x128xf32, #tpu.memory_space<hbm>> -> memref<632x128xf32, #tpu.memory_space<hbm>>
      %dma_wait3A_46 = arith.constant 0 : i32
      %dma_wait3A_47 = tpu.memref_slice %arg11[%mul3A_31, %dma_wait3A_46] : memref<10112x128xf32, #tpu.memory_space<vmem_shared>> -> memref<632x128xf32, #tpu.memory_space<vmem_shared>>
      tpu.wait_dma2 semaphore(%run_scoped3A : memref<!tpu.dma_semaphore, #tpu.memory_space<semaphore_mem>>) src(%dma_wait3A_47 : memref<632x128xf32, #tpu.memory_space<vmem_shared>>) dst(%dma_wait3A_45 : memref<632x128xf32, #tpu.memory_space<hbm>>)
      tpu.yield
    }) : () -> ()
    return
  }
}

</mosaic_0001>

<sc_bundles>
// kernel: _segsum.3.cloned.1.call-start
scs
__scs_entry_jumppad:
0x0: {  	(pc) =	sbr.rel $0x88, $3  }
0x1: {  	(tag) =	ssettag $0x0;
	lr =	simm.s32 $0x1  }
0x2: {  	[smem:$0x3F9E] =	sst lr;
	_ =	strace $0xD0000000  }
0x3: {  	_ = 	snop  }
0x4: {  	_ = 	snop  }
0x5: {  	_ = 	snop  }
0x6: {  	_ = 	snop  }
0x7: {  	_ = 	snop  }
__scs_overlays_trampoline_lowered:
0x8: {  	[smem:$0x3FAD] =	sst s0  }
0x9: {  	[smem:$0x3FAE] =	sst s1  }
0xa: {  	[smem:$0x3FAF] =	sst s2  }
0xb: {  	[smem:$0x3FB0] =	sst s3  }
0xc: {  	[smem:$0x3FB1] =	sst s4  }
0xd: {  	[smem:$0x3FB2] =	sst s5  }
0xe: {  	[smem:$0x3FB3] =	sst s6  }
0xf: {  	[smem:$0x3FB4] =	sst s7  }
0x10: {  	[smem:$0x3FB5] =	sst s8  }
0x11: {  	[smem:$0x3FB6] =	sst s9;
	s0 =	simm.s32 @!p0 $0x0  }
0x12: {  	s1 =	sld [smem:$0x3F9C];
	s0 =	simm.s32 @p0 $0x1  }
0x13: {  	[smem:$0x3FB7] =	sst s0;
	s0 =	simm.s32 @!p1 $0x0  }
0x14: {  	s2 =	sld [smem:$0x3F9B];
	s0 =	simm.s32 @p1 $0x1  }
0x15: {  	[smem:$0x3FB8] =	sst s0;
	s0 =	simm.s32 @!p2 $0x0  }
0x16: {  	s3 =	sld [smem:$0x3FDB];
	s0 =	simm.s32 @p2 $0x1  }
0x17: {  	s4 =	simm.s32 $0x1BF5;
	[smem:$0x3FBA] =	sst s0  }
0x18: {  	s0 =	sld [smem:$0x3F9D];
	_ =	swait.ge [sflag:s4], $0x0  }
0x19: {  	s7 =	sld [smem:$0x3F9E]  }
0x1a: {  	s8 =	sadd.s32 $0xFFFFE003, lr  }
0x1b: {  	s9 =	sadd.s32 $0xFFFFFEF7, lr;
	s5 =	simm.s32 $0xFFFFFFFF;
	p2 =	slt.u32 s8, $0xFFFFF086  }
0x1c: {  	p1 =	slt.u32 s9, $0xF7A;
	s5 =	simm.s32 @!p2 $0x0  }
0x1d: {  	s5 =	simm.s32 @p1 $0x1;
	p0 =	seq.s32 s7, s2  }
0x1e: {  	s7 =	smul.u32 @!p0 $0xF7A, s2;
	p2 =	seq.s32 @!p0 s5, $0x0  }
0x1f: {  	s9 =	smul.u32 $0xF7A, s1;
	s8 =	simm.s32 @!p0 $0x1BF5;
	p2 =	por !p2, p0  }
0x20: {  	[sflag:s8] =	ssyncset.s32 @!p0 $0xFFFFF086;
	s6 =	sadd.s32 @!p0 s3, s7;
	s7 =	simm.s32 @!p0 $0x108  }
0x21: {  	s3 =	sadd.s32 s3, s9;
	s6 =	sadd.s32 @!p0 $0x88, s6;
	s7 =	simm.s32 @p2 $0x1082  }
0x22: {  	[simem:s7], [sflag:s8] =	dma.local @!p0 [hbm:s6], $0xF7A  }
0x23: {  	s9 =	sor.u32 $0xD0000000, s2;
	s6 =	simm.s32 $0x108;
	_ =	swait.ge @!p0 [sflag:s8], $0x0  }
0x24: {  	s3 =	sadd.s32 $0x88, s3;
	s6 =	simm.s32 @!p1 $0x1082;
	[sflag:s4] =	ssyncset.s32 $0xFFFFF086  }
0x25: {  	[simem:s6], [sflag:s4] =	dma.local [hbm:s3], $0xF7A  }
0x26: {  	[smem:$0x3F9E] =	sst s1;
	(tag) =	ssettag s2;
	_ =	strace s9  }
0x27: {  	s1 =	sld [smem:$0x3FAE]  }
0x28: {  	s2 =	sld [smem:$0x3FAF]  }
0x29: {  	s4 =	sld [smem:$0x3FB1]  }
0x2a: {  	p0 =	seq.s32 s5, $0x0;
	s5 =	sld [smem:$0x3FB2]  }
0x2b: {  	s6 =	sld [smem:$0x3FB3]  }
0x2c: {  	s7 =	sld [smem:$0x3FB4]  }
0x2d: {  	s3 =	simm.s32 $0x108;
	s8 =	sld [smem:$0x3FB5]  }
0x2e: {  	s3 =	simm.s32 @!p0 $0x1082;
	s9 =	sld [smem:$0x3FB6]  }
0x2f: {  	lr =	sadd.s32 s0, s3;
	s0 =	sld [smem:$0x3FAD]  }
0x30: {  	s3 =	sld [smem:$0x3FB0]  }
0x31: {  	[smem:$0x3FB9] =	sst s10  }
0x32: {  	s10 =	sld [smem:$0x3FB7];
	_ =	sdelay $0x3  }
0x33: {  	p0 =	seq.s32 s10, $0x1;
	s10 =	sld [smem:$0x3FB9];
	_ =	sdelay $0x3  }
0x34: {  	[smem:$0x3FB9] =	sst s10  }
0x35: {  	s10 =	sld [smem:$0x3FB8];
	_ =	sdelay $0x3  }
0x36: {  	p1 =	seq.s32 s10, $0x1;
	s10 =	sld [smem:$0x3FB9];
	_ =	sdelay $0x3  }
0x37: {  	[smem:$0x3FB9] =	sst s10  }
0x38: {  	s10 =	sld [smem:$0x3FBA]  }
0x39: {  	_ = 	snop;
	(pc) =	sbr.ind lr, $3  }
0x3a: {  	_ = 	snop  }
0x3b: {  	_ = 	snop  }
0x3c: {  	p2 =	seq.s32 s10, $0x1;
	s10 =	sld [smem:$0x3FB9]  }
0x3d: {  	_ =	shalt  }
0x3e: {  	_ =	shalt  }
0x3f: {  	_ =	shalt  }
0x40: {  	_ =	shalt  }
0x41: {  	_ =	shalt  }
0x42: {  	_ =	shalt  }
0x43: {  	_ =	shalt  }
0x44: {  	_ =	shalt  }
0x45: {  	_ =	shalt  }
0x46: {  	_ =	shalt  }
0x47: {  	_ =	shalt  }
0x48: {  	_ =	shalt  }
0x49: {  	_ =	shalt  }
0x4a: {  	_ =	shalt  }
0x4b: {  	_ =	shalt  }
0x4c: {  	_ =	shalt  }
0x4d: {  	_ =	shalt  }
0x4e: {  	_ =	shalt  }
0x4f: {  	_ =	shalt  }
0x50: {  	_ =	shalt  }
0x51: {  	_ =	shalt  }
0x52: {  	_ =	shalt  }
0x53: {  	_ =	shalt  }
0x54: {  	_ =	shalt  }
0x55: {  	_ =	shalt  }
0x56: {  	_ =	shalt  }
0x57: {  	_ =	shalt  }
0x58: {  	_ =	shalt  }
0x59: {  	_ =	shalt  }
0x5a: {  	_ =	shalt  }
0x5b: {  	_ =	shalt  }
0x5c: {  	_ =	shalt  }
0x5d: {  	_ =	shalt  }
0x5e: {  	_ =	shalt  }
0x5f: {  	_ =	shalt  }
0x60: {  	_ =	shalt  }
0x61: {  	_ =	shalt  }
0x62: {  	_ =	shalt  }
0x63: {  	_ =	shalt  }
0x64: {  	_ =	shalt  }
0x65: {  	_ =	shalt  }
0x66: {  	_ =	shalt  }
0x67: {  	_ =	shalt  }
0x68: {  	_ =	shalt  }
0x69: {  	_ =	shalt  }
0x6a: {  	_ =	shalt  }
0x6b: {  	_ =	shalt  }
0x6c: {  	_ =	shalt  }
0x6d: {  	_ =	shalt  }
0x6e: {  	_ =	shalt  }
0x6f: {  	_ =	shalt  }
0x70: {  	_ =	shalt  }
0x71: {  	_ =	shalt  }
0x72: {  	_ =	shalt  }
0x73: {  	_ =	shalt  }
0x74: {  	_ =	shalt  }
0x75: {  	_ =	shalt  }
0x76: {  	_ =	shalt  }
0x77: {  	_ =	shalt  }
0x78: {  	_ =	shalt  }
0x79: {  	_ =	shalt  }
0x7a: {  	_ =	shalt  }
0x7b: {  	_ =	shalt  }
0x7c: {  	_ =	shalt  }
0x7d: {  	_ =	shalt  }
0x7e: {  	_ =	shalt  }
0x7f: {  	_ =	shalt  }
0x80: {  	_ =	shalt  }
0x81: {  	_ =	shalt  }
0x82: {  	_ =	shalt  }
0x83: {  	_ =	shalt  }
0x84: {  	_ =	shalt  }
0x85: {  	_ =	shalt  }
0x86: {  	_ =	shalt  }
0x87: {  	_ =	shalt  }
.Lfunc_end0:
.L_simem_size_0:
called_computation_lowered:
.L_overlay_start_0:
0x88: {  	s2 =	sld [smem:$0x3FD9]  }
0x89: {  	s3 =	sld [smem:$0x3FFE];
	_ =	sdelay $0x1  }
0x8a: {  	s1 =	srdreg.scid  }
0x8b: {  	s0 =	sand.u32 $0x1, s1  }
0x8c: {  	s17 =	sshll.u32 s0, $0xA;
	s2 =	sadd.s32 s3, s2  }
0x8d: {  	s2 =	sadd.s32 s2, s17  }
0x8e: {  	[smem:$0x3FC5] =	sst s2  }
0x8f: {  	_ = 	snop  }
0x90: {  	s2 =	sld [smem:$0x3FC9]  }
0x91: {  	s18 =	sld [smem:$0x3FC8]  }
0x92: {  	s4 =	sld [smem:$0x3FC7]  }
0x93: {  	s5 =	sld [smem:$0x3FD0];
	(tm) =	ssettm $0x1  }
0x94: {  	s6 =	sld [smem:$0x3FFB];
	_ =	sdelay $0x3  }
0x95: {  	_ =	strace s6  }
0x96: {  	s6 =	sld [smem:$0x3FFC];
	_ =	sdelay $0x3  }
0x97: {  	_ =	strace s6  }
0x98: {  	s6 =	sld [smem:$0x3FFD];
	_ =	sdelay $0x3  }
0x99: {  	_ =	strace s6  }
0x9a: {  	_ =	strace $0x8FFFFFFF  }
0x9b: {  	s19 =	sld [smem:$0x3FDB];
	_ =	sdelay $0x1  }
0x9c: {  	s7 =	simm.s32 $_scs_section_size  }
0x9d: {  	s8 =	simm.s32 $_size__tile_overlayer_lowered;
	s9 =	simm.s32 $_tile_overlayer_lowered  }
0x9e: {  	s22 =	simm.s32 $0x1BFF;
	s21 =	sshll.u32 s9, $0x1;
	s6 =	sadd.s32 s7, s19  }
0x9f: {  	s10 =	simm.s32 $0x0;
	s20 =	sshll.u32 s8, $0x1;
	s8 =	sadd.s32 s21, s6  }
0xa0: {  	[timem:s10], [sflag:s22] =	dma.local [hbm:s8], s20  }
0xa1: {  	_ =	swait.ge [sflag:s22], s20  }
0xa2: {  	s7 =	ssub.s32 $0x0, s20;
	[sflag:s22] =	ssyncset.done $0x0  }
0xa3: {  	[sflag:s22] =	ssyncadd.s32 s7;
	_ =	sdelay $0x1  }
0xa4: {  	s23 =	simm.s32 $0x1B8B  }
0xa5: {  	_ =	swait.ge [sflag:s23], $0x1  }
0xa6: {  	[sflag:s23] =	ssyncset.done $0x0  }
0xa7: {  	s25 =	simm.s32 $0x1B8E;
	s24 =	sld [smem:$0x3FFE];
	[sflag:s23] =	ssyncadd.s32 $0xFFFFFFFF  }
0xa8: {  	s26 =	simm.s32 $execute0_lowered;
	[smem:$0x3FD2] =	sst s25  }
0xa9: {  	s8 =	sshll.u32 s26, $0x1;
	_ =	strace $0x80000046;
	[dreg:$0x1] =	wrdreg $0xFFFFFFFF  }
0xaa: {  	s28 =	simm.s32 $_size_execute0_lowered;
	s6 =	sadd.s32 s6, s8;
	[dreg:$0x0] =	wrdreg $0x0  }
0xab: {  	s8 =	sshll.u32 s28, $0x1;
	[dreg:$0x2] =	wrdreg s6  }
0xac: {  	[dreg:$0x3] =	wrdreg s8  }
0xad: {  	[dreg:$0x4] =	wrdreg $0xC0  }
0xae: {  	_ =	task [dreg:s10], $0x5FFFF  }
0xaf: {  	[dreg:$0x1] =	wrdreg $0xFFFFFFFF  }
0xb0: {  	[dreg:$0x0] =	wrdreg $0x60  }
0xb1: {  	[dreg:$0x2] =	wrdreg s2  }
0xb2: {  	[dreg:$0x3] =	wrdreg s18  }
0xb3: {  	[dreg:$0x4] =	wrdreg s4  }
0xb4: {  	[dreg:$0x5] =	wrdreg s24  }
0xb5: {  	[dreg:$0x6] =	wrdreg s5  }
0xb6: {  	[dreg:$0x7] =	wrdreg $0x90000  }
0xb7: {  	[dreg:$0x8] =	wrdreg $0x9  }
0xb8: {  	_ =	task.clear_ibuf [dreg:s10], $0x9FFFF;
	_ =	strace $0x90000046  }
0xb9: {  	s29 =	simm.s32 $0x9;
	_ =	strace $0x80000048  }
0xba: {  	_ =	swait.ge [sflag:s29], $0x1  }
0xbb: {  	[sflag:s29] =	ssyncadd.s32 $0xFFFFFFFF  }
0xbc: {  	_ =	strace $0x90000048  }
0xbd: {  	_ =	sfence  }
0xbe: {  	s30 =	sld [smem:$0x0];
	_ =	sdelay $0x2  }
0xbf: {  	s31 =	sshll.u32 s1, $0xD;
	s1 =	sshrl.u32 s1, $0x2  }
0xc0: {  	s3 =	sand.u32 $0x4000, s31;
	s1 =	sadd.s32 s1, s30  }
0xc1: {  	s0 =	sor.u32 s3, s0;
	s1 =	sshll.u32 s1, $0x11  }
0xc2: {  	s0 =	sor.u32 s1, s0  }
0xc3: {  	s0 =	sadd.s32 $0x8F2B, s0  }
0xc4: {  	[sflag:s0] =	ssyncadd.remote.s32 $0x1  }
0xc5: {  	_ =	sfence.sel $0xFFFF  }
0xc6: {  	[dreg:$0x0] =	wrdreg $0xFFFFFFFF;
	(pc) =	sbr.abs _section_cstart, $3  }
0xc7: {  	[dreg:$0x1] =	wrdreg $0xFFFFFFFF  }
0xc8: {  	_ =	task.clear_ibuf [dreg:s10], $0x2FFFF;
	_ =	strace $0x9FFFFFFF  }
0xc9: {  	(tm) =	ssettm $0x7FFFFFFF  }
tec
execute0_lowered:
.L_overlay_start_1:
0x0: {  	(tag) =	ssettag $0x1  }
0x1: {  	s0 =	rddreg [dreg:$0x0]  }
0x2: {  	s23 =	rddreg [dreg:$0x1]  }
0x3: {  	s1 =	rddreg [dreg:$0x2]  }
0x4: {  	s2 =	rddreg [dreg:$0x3]  }
0x5: {  	s5 =	rddreg [dreg:$0x4]  }
0x6: {  	s3 =	rddreg [dreg:$0x5];
	s11 =	stileid.u32  }
0x7: {  	s4 =	simm.s32 $0x0;
	s6 =	srdreg.scid;
	s26 =	simm.s32 $0x880  }
0x8: {  	s12 =	simm.s32 $0x180;
	s13 =	simm.s32 $0x900;
	[dreg:$0x7] =	wrdreg s0  }
0x9: {  	s14 =	simm.s32 $0x980;
	s15 =	simm.s32 $0x200;
	[dreg:$0x8] =	wrdreg s23  }
0xa: {  	s16 =	simm.s32 $0x280;
	s18 =	simm.s32 $0xA00;
	[smem:$0x7FF] =	sst s4  }
0xb: {  	s19 =	simm.s32 $0xA80;
	_ =	strace $0x80000047;
	[dreg:$0x9] =	wrdreg s26  }
0xc: {  	s20 =	simm.s32 $0x300;
	s21 =	simm.s32 $0x380;
	[dreg:$0xb] =	wrdreg s12  }
0xd: {  	s22 =	simm.s32 $0xB00;
	s28 =	simm.s32 $0xE00;
	[dreg:$0xc] =	wrdreg s13  }
0xe: {  	s29 =	simm.s32 $0xE80;
	s30 =	simm.s32 $0x700;
	[dreg:$0xd] =	wrdreg s14  }
0xf: {  	s31 =	simm.s32 $0x780;
	s0 =	smul.u32 $0x2780, s11;
	[dreg:$0xe] =	wrdreg s15  }
0x10: {  	s6 =	sand.u32 $0x1, s6;
	s7 =	smul.u32 $0x4F000, s11;
	[dreg:$0xf] =	wrdreg s16  }
0x11: {  	s24 =	sshll.u32 s11, $0x6;
	s25 =	sshll.u32 s11, $0xC;
	[dreg:$0x10] =	wrdreg s18  }
0x12: {  	s23 =	simm.s32 $0xB80;
	s8 =	ssub.s32 $0x2, s6;
	[dreg:$0x11] =	wrdreg s19  }
0x13: {  	s24 =	sor.u32 $0x1C03, s24;
	p0 =	seq.s32 s6, $0x0;
	[dreg:$0x12] =	wrdreg s20  }
0x14: {  	s6 =	smul.u32 $0x27800, s6;
	s12 =	simm.s32 $0x800;
	[dreg:$0x13] =	wrdreg s21  }
0x15: {  	s13 =	simm.s32 $0x80;
	s14 =	simm.s32 $0x1000;
	[dreg:$0x14] =	wrdreg s22  }
0x16: {  	s15 =	simm.s32 $0x5000;
	[dreg:$0x15] =	wrdreg s23;
	s16 =	simm.s32 $0x1  }
0x17: {  	s26 =	simm.s32 $0x480;
	s18 =	simm.s32 $0xC00;
	s19 =	simm.s32 $0xC80  }
0x18: {  	s20 =	simm.s32 $0x500;
	s21 =	simm.s32 $0x580;
	s22 =	simm.s32 $0xD00  }
0x19: {  	s23 =	simm.s32 $0xD80;
	s2 =	sadd.s32 s0, s2;
	s9 =	sshrl.u32 s8, $0x1  }
0x1a: {  	s7 =	sshrl.u32 s7, $0x2;
	[dreg:$0x17] =	wrdreg s26;
	s26 =	simm.s32 $0x680  }
0x1b: {  	s10 =	ssub.s32 s8, s9;
	s7 =	sadd.s32 s7, s3;
	s2 =	sadd.s32 $0x400, s2  }
0x1c: {  	s9 =	sor.u32 $0x40000, s25;
	s8 =	simm.s32 $0x8;
	s5 =	sadd.s32 s5, s6  }
0x1d: {  	s25 =	simm.s32 $0x400;
	[dreg:$0x18] =	wrdreg s2;
	s2 =	sshll.u32 s11, $0xE  }
0x1e: {  	s11 =	simm.s32 $0x100;
	s8 =	simm.s32 @!p0 $0x2;
	[dreg:$0x16] =	wrdreg s25  }
0x1f: {  	s17 =	smax.u32 s10, $0x1;
	s0 =	sadd.s32 s0, s5;
	[dreg:$0xa] =	wrdreg s11  }
0x20: {  	s25 =	simm.s32 $0x600;
	s5 =	simm.s32 $0x0;
	[dreg:$0x19] =	wrdreg s8  }
0x21: {  	s9 =	smov.u32 @p0 s2;
	[dreg:$0x1a] =	wrdreg s17;
	s8 =	sshrl.u32 s7, $0x3  }
0x22: {  	s11 =	simm.s32 $0x3;
	s17 =	simm.s32 $0x2;
	[dreg:$0x1c] =	wrdreg s0  }
0x23: {  	s0 =	simm.s32 $0xF00;
	s2 =	simm.s32 $0xF80;
	[dreg:$0x1b] =	wrdreg s8  }
.LBB2_1:
0x24: {  	s6 =	rddreg [dreg:$0x18]  }
0x25: {  	[spmem:s8], [sflag:s24] =	dma.local [hbm:s6], $0x2780  }
0x26: {  	_ =	swait.ge [sflag:s11], $0x2780  }
0x27: {  	[sflag:s11] =	ssyncset.done $0x0  }
0x28: {  	[sflag:s11] =	ssyncadd.s32 $0xFFFFD880  }
0x29: {  	[bflag:$0x0] =	sbarrier.arrive $0xFFFF  }
0x2a: {  	s10 =	rddreg [dreg:$0x19]  }
0x2b: {  	p1 =	sne.s32 s10, $0x1  }
.Ltmp0:
0x2c: {  	_ = 	snop;
	(pc) =	sbr.rel @!p1 .LBB2_2-.Ltmp0, $2  }
0x2d: {  	_ =	sdelay $0x2  }
0x2e: {  	p0 =	por $0x0, $0x0;
	s6 =	rddreg [dreg:$0x7];
	s7 =	sadd.s32 $0xFFFFFFFF, s10  }
0x2f: {  	s8 =	smov.u32 s24;
	s24 =	sshrl.u32 s9, $0x3  }
0x30: {  	s6 =	sadd.s32 s6, s24  }
0x31: {  	[tilespmem:s4], [sflag:$0x3] =	stream.linear.gather [hbm4b:s6+s4], $0x800, $0x38;
	[tilespmem:$0x1CC00] =	vst v63  }
0x32: {  	_ =	swait.ge [sflag:s11], $0x800  }
0x33: {  	s10 =	rddreg [dreg:$0x8];
	[sflag:s11] =	ssyncset.done $0x0  }
0x34: {  	[sflag:s11] =	ssyncadd.s32 $0xFFFFF800;
	s6 =	sadd.s32 s10, s24  }
0x35: {  	[tilespmem:s12], [sflag:$0x3] =	stream.linear.gather [hbm4b:s6+s4], $0x800, $0x38;
	[tilespmem:$0x1CC00] =	vst v63  }
0x36: {  	_ =	swait.ge [sflag:s11], $0x800  }
0x37: {  	[sflag:s11] =	ssyncset.done $0x0  }
0x38: {  	[sflag:s11] =	ssyncadd.s32 $0xFFFFF800  }
0x39: {  	[tilespmem:s14], [sflag:$0x1] =	stream.indirect.gather [hbm4b:s1+s13], $0x80, s4, s13, $0xb8;
	[tilespmem:$0x1CC00] =	vst v63  }
0x3a: {  	_ = 	snop  }
0x3b: {  	[tilespmem:s15], [sflag:$0x2] =	stream.indirect.gather [hbm4b:s1+s13], $0x80, s13, s13, $0xb8;
	[tilespmem:$0x1CC00] =	vst v63  }
0x3c: {  	_ =	swait.ge [sflag:s16], $0x4000  }
0x3d: {  	[sflag:s16] =	ssyncset.done $0x0  }
0x3e: {  	[sflag:s16] =	ssyncadd.s32 $0xFFFFC000  }
0x3f: {  	[spmem:s3] =	stream.indirect.scatter.add.f32 [tilespmem:s14], [sflag:$0x3], $0x80, s12, s13, $0xb8;
	[tilespmem:$0x1CC00] =	vst v63  }
0x40: {  	_ =	swait.ge [sflag:s11], $0x4000  }
0x41: {  	[sflag:s11] =	ssyncset.done $0x0  }
0x42: {  	[sflag:s11] =	ssyncadd.s32 $0xFFFFC000  }
0x43: {  	_ =	swait.ge [sflag:s17], $0x4000  }
0x44: {  	[sflag:s17] =	ssyncset.done $0x0  }
0x45: {  	s10 =	rddreg [dreg:$0x9];
	[sflag:s17] =	ssyncadd.s32 $0xFFFFC000  }
0x46: {  	[spmem:s3] =	stream.indirect.scatter.add.f32 [tilespmem:s15], [sflag:$0x3], $0x80, s10, s13, $0xb8;
	[tilespmem:$0x1CC00] =	vst v63  }
0x47: {  	_ =	swait.ge [sflag:s11], $0x4000  }
0x48: {  	[sflag:s11] =	ssyncset.done $0x0  }
0x49: {  	s24 =	rddreg [dreg:$0xa];
	[sflag:s11] =	ssyncadd.s32 $0xFFFFC000  }
0x4a: {  	[tilespmem:s14], [sflag:$0x1] =	stream.indirect.gather [hbm4b:s1+s13], $0x80, s24, s13, $0xb8;
	[tilespmem:$0x1CC00] =	vst v63  }
0x4b: {  	s10 =	rddreg [dreg:$0xb]  }
0x4c: {  	[tilespmem:s15], [sflag:$0x2] =	stream.indirect.gather [hbm4b:s1+s13], $0x80, s10, s13, $0xb8;
	[tilespmem:$0x1CC00] =	vst v63  }
0x4d: {  	_ =	swait.ge [sflag:s16], $0x4000  }
0x4e: {  	[sflag:s16] =	ssyncset.done $0x0  }
0x4f: {  	s24 =	rddreg [dreg:$0xc];
	[sflag:s16] =	ssyncadd.s32 $0xFFFFC000  }
0x50: {  	[spmem:s3] =	stream.indirect.scatter.add.f32 [tilespmem:s14], [sflag:$0x3], $0x80, s24, s13, $0xb8;
	[tilespmem:$0x1CC00] =	vst v63  }
0x51: {  	_ =	swait.ge [sflag:s11], $0x4000  }
0x52: {  	[sflag:s11] =	ssyncset.done $0x0  }
0x53: {  	[sflag:s11] =	ssyncadd.s32 $0xFFFFC000  }
0x54: {  	_ =	swait.ge [sflag:s17], $0x4000  }
0x55: {  	[sflag:s17] =	ssyncset.done $0x0  }
0x56: {  	s10 =	rddreg [dreg:$0xd];
	[sflag:s17] =	ssyncadd.s32 $0xFFFFC000  }
0x57: {  	[spmem:s3] =	stream.indirect.scatter.add.f32 [tilespmem:s15], [sflag:$0x3], $0x80, s10, s13, $0xb8;
	[tilespmem:$0x1CC00] =	vst v63  }
0x58: {  	_ =	swait.ge [sflag:s11], $0x4000  }
0x59: {  	[sflag:s11] =	ssyncset.done $0x0  }
0x5a: {  	s24 =	rddreg [dreg:$0xe];
	[sflag:s11] =	ssyncadd.s32 $0xFFFFC000  }
0x5b: {  	[tilespmem:s14], [sflag:$0x1] =	stream.indirect.gather [hbm4b:s1+s13], $0x80, s24, s13, $0xb8;
	[tilespmem:$0x1CC00] =	vst v63  }
0x5c: {  	s10 =	rddreg [dreg:$0xf]  }
0x5d: {  	[tilespmem:s15], [sflag:$0x2] =	stream.indirect.gather [hbm4b:s1+s13], $0x80, s10, s13, $0xb8;
	[tilespmem:$0x1CC00] =	vst v63  }
0x5e: {  	_ =	swait.ge [sflag:s16], $0x4000  }
0x5f: {  	[sflag:s16] =	ssyncset.done $0x0  }
0x60: {  	s24 =	rddreg [dreg:$0x10];
	[sflag:s16] =	ssyncadd.s32 $0xFFFFC000  }
0x61: {  	[spmem:s3] =	stream.indirect.scatter.add.f32 [tilespmem:s14], [sflag:$0x3], $0x80, s24, s13, $0xb8;
	[tilespmem:$0x1CC00] =	vst v63  }
0x62: {  	_ =	swait.ge [sflag:s11], $0x4000  }
0x63: {  	[sflag:s11] =	ssyncset.done $0x0  }
0x64: {  	[sflag:s11] =	ssyncadd.s32 $0xFFFFC000  }
0x65: {  	_ =	swait.ge [sflag:s17], $0x4000  }
0x66: {  	[sflag:s17] =	ssyncset.done $0x0  }
0x67: {  	s10 =	rddreg [dreg:$0x11];
	[sflag:s17] =	ssyncadd.s32 $0xFFFFC000  }
0x68: {  	[spmem:s3] =	stream.indirect.scatter.add.f32 [tilespmem:s15], [sflag:$0x3], $0x80, s10, s13, $0xb8;
	[tilespmem:$0x1CC00] =	vst v63  }
0x69: {  	_ =	swait.ge [sflag:s11], $0x4000  }
0x6a: {  	[sflag:s11] =	ssyncset.done $0x0  }
0x6b: {  	s24 =	rddreg [dreg:$0x12];
	[sflag:s11] =	ssyncadd.s32 $0xFFFFC000  }
0x6c: {  	[tilespmem:s14], [sflag:$0x1] =	stream.indirect.gather [hbm4b:s1+s13], $0x80, s24, s13, $0xb8;
	[tilespmem:$0x1CC00] =	vst v63  }
0x6d: {  	s10 =	rddreg [dreg:$0x13]  }
0x6e: {  	[tilespmem:s15], [sflag:$0x2] =	stream.indirect.gather [hbm4b:s1+s13], $0x80, s10, s13, $0xb8;
	[tilespmem:$0x1CC00] =	vst v63  }
0x6f: {  	_ =	swait.ge [sflag:s16], $0x4000  }
0x70: {  	[sflag:s16] =	ssyncset.done $0x0  }
0x71: {  	s24 =	rddreg [dreg:$0x14];
	[sflag:s16] =	ssyncadd.s32 $0xFFFFC000  }
0x72: {  	[spmem:s3] =	stream.indirect.scatter.add.f32 [tilespmem:s14], [sflag:$0x3], $0x80, s24, s13, $0xb8;
	[tilespmem:$0x1CC00] =	vst v63  }
0x73: {  	_ =	swait.ge [sflag:s11], $0x4000  }
0x74: {  	[sflag:s11] =	ssyncset.done $0x0  }
0x75: {  	[sflag:s11] =	ssyncadd.s32 $0xFFFFC000  }
0x76: {  	_ =	swait.ge [sflag:s17], $0x4000  }
0x77: {  	[sflag:s17] =	ssyncset.done $0x0  }
0x78: {  	s10 =	rddreg [dreg:$0x15];
	[sflag:s17] =	ssyncadd.s32 $0xFFFFC000  }
0x79: {  	[spmem:s3] =	stream.indirect.scatter.add.f32 [tilespmem:s15], [sflag:$0x3], $0x80, s10, s13, $0xb8;
	[tilespmem:$0x1CC00] =	vst v63  }
0x7a: {  	_ =	swait.ge [sflag:s11], $0x4000  }
0x7b: {  	[sflag:s11] =	ssyncset.done $0x0  }
0x7c: {  	s24 =	rddreg [dreg:$0x16];
	[sflag:s11] =	ssyncadd.s32 $0xFFFFC000  }
0x7d: {  	[tilespmem:s14], [sflag:$0x1] =	stream.indirect.gather [hbm4b:s1+s13], $0x80, s24, s13, $0xb8;
	[tilespmem:$0x1CC00] =	vst v63  }
0x7e: {  	s10 =	rddreg [dreg:$0x17]  }
0x7f: {  	[tilespmem:s15], [sflag:$0x2] =	stream.indirect.gather [hbm4b:s1+s13], $0x80, s10, s13, $0xb8;
	[tilespmem:$0x1CC00] =	vst v63  }
0x80: {  	_ =	swait.ge [sflag:s16], $0x4000  }
0x81: {  	[sflag:s16] =	ssyncset.done $0x0  }
0x82: {  	[sflag:s16] =	ssyncadd.s32 $0xFFFFC000  }
0x83: {  	[spmem:s3] =	stream.indirect.scatter.add.f32 [tilespmem:s14], [sflag:$0x3], $0x80, s18, s13, $0xb8;
	[tilespmem:$0x1CC00] =	vst v63  }
0x84: {  	_ =	swait.ge [sflag:s11], $0x4000  }
0x85: {  	[sflag:s11] =	ssyncset.done $0x0  }
0x86: {  	[sflag:s11] =	ssyncadd.s32 $0xFFFFC000  }
0x87: {  	_ =	swait.ge [sflag:s17], $0x4000  }
0x88: {  	[sflag:s17] =	ssyncset.done $0x0  }
0x89: {  	[sflag:s17] =	ssyncadd.s32 $0xFFFFC000  }
0x8a: {  	[spmem:s3] =	stream.indirect.scatter.add.f32 [tilespmem:s15], [sflag:$0x3], $0x80, s19, s13, $0xb8;
	[tilespmem:$0x1CC00] =	vst v63  }
0x8b: {  	_ =	swait.ge [sflag:s11], $0x4000  }
0x8c: {  	[sflag:s11] =	ssyncset.done $0x0  }
0x8d: {  	[sflag:s11] =	ssyncadd.s32 $0xFFFFC000  }
0x8e: {  	[tilespmem:s14], [sflag:$0x1] =	stream.indirect.gather [hbm4b:s1+s13], $0x80, s20, s13, $0xb8;
	[tilespmem:$0x1CC00] =	vst v63  }
0x8f: {  	_ = 	snop  }
0x90: {  	[tilespmem:s15], [sflag:$0x2] =	stream.indirect.gather [hbm4b:s1+s13], $0x80, s21, s13, $0xb8;
	[tilespmem:$0x1CC00] =	vst v63  }
0x91: {  	_ =	swait.ge [sflag:s16], $0x4000  }
0x92: {  	[sflag:s16] =	ssyncset.done $0x0  }
0x93: {  	[sflag:s16] =	ssyncadd.s32 $0xFFFFC000  }
0x94: {  	[spmem:s3] =	stream.indirect.scatter.add.f32 [tilespmem:s14], [sflag:$0x3], $0x80, s22, s13, $0xb8;
	[tilespmem:$0x1CC00] =	vst v63  }
0x95: {  	_ =	swait.ge [sflag:s11], $0x4000  }
0x96: {  	[sflag:s11] =	ssyncset.done $0x0  }
0x97: {  	[sflag:s11] =	ssyncadd.s32 $0xFFFFC000  }
0x98: {  	_ =	swait.ge [sflag:s17], $0x4000  }
0x99: {  	[sflag:s17] =	ssyncset.done $0x0  }
0x9a: {  	[sflag:s17] =	ssyncadd.s32 $0xFFFFC000  }
0x9b: {  	[spmem:s3] =	stream.indirect.scatter.add.f32 [tilespmem:s15], [sflag:$0x3], $0x80, s23, s13, $0xb8;
	[tilespmem:$0x1CC00] =	vst v63  }
0x9c: {  	_ =	swait.ge [sflag:s11], $0x4000  }
0x9d: {  	[sflag:s11] =	ssyncset.done $0x0  }
0x9e: {  	[sflag:s11] =	ssyncadd.s32 $0xFFFFC000  }
0x9f: {  	[tilespmem:s14], [sflag:$0x1] =	stream.indirect.gather [hbm4b:s1+s13], $0x80, s25, s13, $0xb8;
	[tilespmem:$0x1CC00] =	vst v63  }
0xa0: {  	_ = 	snop  }
0xa1: {  	[tilespmem:s15], [sflag:$0x2] =	stream.indirect.gather [hbm4b:s1+s13], $0x80, s26, s13, $0xb8;
	[tilespmem:$0x1CC00] =	vst v63  }
0xa2: {  	_ =	swait.ge [sflag:s16], $0x4000  }
0xa3: {  	[sflag:s16] =	ssyncset.done $0x0  }
0xa4: {  	[sflag:s16] =	ssyncadd.s32 $0xFFFFC000  }
0xa5: {  	[spmem:s3] =	stream.indirect.scatter.add.f32 [tilespmem:s14], [sflag:$0x3], $0x80, s28, s13, $0xb8;
	[tilespmem:$0x1CC00] =	vst v63  }
0xa6: {  	_ =	swait.ge [sflag:s11], $0x4000  }
0xa7: {  	[sflag:s11] =	ssyncset.done $0x0  }
0xa8: {  	[sflag:s11] =	ssyncadd.s32 $0xFFFFC000  }
0xa9: {  	_ =	swait.ge [sflag:s17], $0x4000  }
0xaa: {  	[sflag:s17] =	ssyncset.done $0x0  }
0xab: {  	[sflag:s17] =	ssyncadd.s32 $0xFFFFC000  }
0xac: {  	[spmem:s3] =	stream.indirect.scatter.add.f32 [tilespmem:s15], [sflag:$0x3], $0x80, s29, s13, $0xb8;
	[tilespmem:$0x1CC00] =	vst v63  }
0xad: {  	_ =	swait.ge [sflag:s11], $0x4000  }
0xae: {  	[sflag:s11] =	ssyncset.done $0x0  }
0xaf: {  	[sflag:s11] =	ssyncadd.s32 $0xFFFFC000  }
0xb0: {  	[tilespmem:s14], [sflag:$0x1] =	stream.indirect.gather [hbm4b:s1+s13], $0x80, s30, s13, $0xb8;
	[tilespmem:$0x1CC00] =	vst v63  }
0xb1: {  	_ = 	snop  }
0xb2: {  	[tilespmem:s15], [sflag:$0x2] =	stream.indirect.gather [hbm4b:s1+s13], $0x80, s31, s13, $0xb8;
	[tilespmem:$0x1CC00] =	vst v63  }
0xb3: {  	_ =	swait.ge [sflag:s16], $0x4000  }
0xb4: {  	[sflag:s16] =	ssyncset.done $0x0  }
0xb5: {  	[sflag:s16] =	ssyncadd.s32 $0xFFFFC000  }
0xb6: {  	[spmem:s3] =	stream.indirect.scatter.add.f32 [tilespmem:s14], [sflag:$0x3], $0x80, s0, s13, $0xb8;
	[tilespmem:$0x1CC00] =	vst v63  }
0xb7: {  	_ =	swait.ge [sflag:s11], $0x4000  }
0xb8: {  	[sflag:s11] =	ssyncset.done $0x0  }
0xb9: {  	[sflag:s11] =	ssyncadd.s32 $0xFFFFC000  }
0xba: {  	p1 =	sne.s32 s7, $0x1;
	_ =	swait.ge [sflag:s17], $0x4000  }
.Ltmp1:
0xbb: {  	[sflag:s17] =	ssyncset.done $0x0;
	(pc) =	sbr.rel @!p1 .LBB2_4-.Ltmp1, $4  }
0xbc: {  	[sflag:s17] =	ssyncadd.s32 $0xFFFFC000  }
0xbd: {  	[spmem:s3] =	stream.indirect.scatter.add.f32 [tilespmem:s15], [sflag:$0x3], $0x80, s2, s13, $0xb8;
	[tilespmem:$0x1CC00] =	vst v63  }
0xbe: {  	p0 =	por $0x1, $0x1;
	s24 =	sadd.s32 $0xFFFFFFFF, s7;
	_ =	swait.ge [sflag:s11], $0x4000  }
0xbf: {  	s7 =	smov.u32 s9;
	s6 =	rddreg [dreg:$0x7];
	[sflag:s11] =	ssyncset.done $0x0  }
.LBB2_5:
0xc0: {  	s7 =	sadd.s32 $0x800, s7  }
0xc1: {  	s10 =	sshrl.u32 s7, $0x3  }
0xc2: {  	[sflag:s11] =	ssyncadd.s32 $0xFFFFC000;
	s6 =	sadd.s32 s6, s10  }
0xc3: {  	[tilespmem:s4], [sflag:$0x3] =	stream.linear.gather [hbm4b:s6+s4], $0x800, $0x38;
	[tilespmem:$0x1CC00] =	vst v63  }
0xc4: {  	_ =	swait.ge [sflag:s11], $0x800  }
0xc5: {  	s6 =	rddreg [dreg:$0x8];
	[sflag:s11] =	ssyncset.done $0x0  }
0xc6: {  	[sflag:s11] =	ssyncadd.s32 $0xFFFFF800;
	s6 =	sadd.s32 s6, s10  }
0xc7: {  	[tilespmem:s12], [sflag:$0x3] =	stream.linear.gather [hbm4b:s6+s4], $0x800, $0x38;
	[tilespmem:$0x1CC00] =	vst v63  }
0xc8: {  	_ =	swait.ge [sflag:s11], $0x800  }
0xc9: {  	[sflag:s11] =	ssyncset.done $0x0  }
0xca: {  	[sflag:s11] =	ssyncadd.s32 $0xFFFFF800  }
0xcb: {  	[tilespmem:s14], [sflag:$0x1] =	stream.indirect.gather [hbm4b:s1+s13], $0x80, s4, s13, $0xb8;
	[tilespmem:$0x1CC00] =	vst v63  }
0xcc: {  	_ = 	snop  }
0xcd: {  	[tilespmem:s15], [sflag:$0x2] =	stream.indirect.gather [hbm4b:s1+s13], $0x80, s13, s13, $0xb8;
	[tilespmem:$0x1CC00] =	vst v63  }
0xce: {  	_ =	swait.ge [sflag:s16], $0x4000  }
0xcf: {  	[sflag:s16] =	ssyncset.done $0x0  }
0xd0: {  	[sflag:s16] =	ssyncadd.s32 $0xFFFFC000  }
0xd1: {  	[spmem:s3] =	stream.indirect.scatter.add.f32 [tilespmem:s14], [sflag:$0x3], $0x80, s12, s13, $0xb8;
	[tilespmem:$0x1CC00] =	vst v63  }
0xd2: {  	_ =	swait.ge [sflag:s11], $0x4000  }
0xd3: {  	[sflag:s11] =	ssyncset.done $0x0  }
0xd4: {  	[sflag:s11] =	ssyncadd.s32 $0xFFFFC000  }
0xd5: {  	_ =	swait.ge [sflag:s17], $0x4000  }
0xd6: {  	[sflag:s17] =	ssyncset.done $0x0  }
0xd7: {  	s10 =	rddreg [dreg:$0x9];
	[sflag:s17] =	ssyncadd.s32 $0xFFFFC000  }
0xd8: {  	[spmem:s3] =	stream.indirect.scatter.add.f32 [tilespmem:s15], [sflag:$0x3], $0x80, s10, s13, $0xb8;
	[tilespmem:$0x1CC00] =	vst v63  }
0xd9: {  	_ =	swait.ge [sflag:s11], $0x4000  }
0xda: {  	[sflag:s11] =	ssyncset.done $0x0  }
0xdb: {  	s6 =	rddreg [dreg:$0xa];
	[sflag:s11] =	ssyncadd.s32 $0xFFFFC000  }
0xdc: {  	[tilespmem:s14], [sflag:$0x1] =	stream.indirect.gather [hbm4b:s1+s13], $0x80, s6, s13, $0xb8;
	[tilespmem:$0x1CC00] =	vst v63  }
0xdd: {  	s10 =	rddreg [dreg:$0xb]  }
0xde: {  	[tilespmem:s15], [sflag:$0x2] =	stream.indirect.gather [hbm4b:s1+s13], $0x80, s10, s13, $0xb8;
	[tilespmem:$0x1CC00] =	vst v63  }
0xdf: {  	_ =	swait.ge [sflag:s16], $0x4000  }
0xe0: {  	[sflag:s16] =	ssyncset.done $0x0  }
0xe1: {  	s10 =	rddreg [dreg:$0xc];
	[sflag:s16] =	ssyncadd.s32 $0xFFFFC000  }
0xe2: {  	[spmem:s3] =	stream.indirect.scatter.add.f32 [tilespmem:s14], [sflag:$0x3], $0x80, s10, s13, $0xb8;
	[tilespmem:$0x1CC00] =	vst v63  }
0xe3: {  	_ =	swait.ge [sflag:s11], $0x4000  }
0xe4: {  	[sflag:s11] =	ssyncset.done $0x0  }
0xe5: {  	[sflag:s11] =	ssyncadd.s32 $0xFFFFC000  }
0xe6: {  	_ =	swait.ge [sflag:s17], $0x4000  }
0xe7: {  	[sflag:s17] =	ssyncset.done $0x0  }
0xe8: {  	s10 =	rddreg [dreg:$0xd];
	[sflag:s17] =	ssyncadd.s32 $0xFFFFC000  }
0xe9: {  	[spmem:s3] =	stream.indirect.scatter.add.f32 [tilespmem:s15], [sflag:$0x3], $0x80, s10, s13, $0xb8;
	[tilespmem:$0x1CC00] =	vst v63  }
0xea: {  	_ =	swait.ge [sflag:s11], $0x4000  }
0xeb: {  	[sflag:s11] =	ssyncset.done $0x0  }
0xec: {  	s6 =	rddreg [dreg:$0xe];
	[sflag:s11] =	ssyncadd.s32 $0xFFFFC000  }
0xed: {  	[tilespmem:s14], [sflag:$0x1] =	stream.indirect.gather [hbm4b:s1+s13], $0x80, s6, s13, $0xb8;
	[tilespmem:$0x1CC00] =	vst v63  }
0xee: {  	s10 =	rddreg [dreg:$0xf]  }
0xef: {  	[tilespmem:s15], [sflag:$0x2] =	stream.indirect.gather [hbm4b:s1+s13], $0x80, s10, s13, $0xb8;
	[tilespmem:$0x1CC00] =	vst v63  }
0xf0: {  	_ =	swait.ge [sflag:s16], $0x4000  }
0xf1: {  	[sflag:s16] =	ssyncset.done $0x0  }
0xf2: {  	s10 =	rddreg [dreg:$0x10];
	[sflag:s16] =	ssyncadd.s32 $0xFFFFC000  }
0xf3: {  	[spmem:s3] =	stream.indirect.scatter.add.f32 [tilespmem:s14], [sflag:$0x3], $0x80, s10, s13, $0xb8;
	[tilespmem:$0x1CC00] =	vst v63  }
0xf4: {  	_ =	swait.ge [sflag:s11], $0x4000  }
0xf5: {  	[sflag:s11] =	ssyncset.done $0x0  }
0xf6: {  	[sflag:s11] =	ssyncadd.s32 $0xFFFFC000  }
0xf7: {  	_ =	swait.ge [sflag:s17], $0x4000  }
0xf8: {  	[sflag:s17] =	ssyncset.done $0x0  }
0xf9: {  	s10 =	rddreg [dreg:$0x11];
	[sflag:s17] =	ssyncadd.s32 $0xFFFFC000  }
0xfa: {  	[spmem:s3] =	stream.indirect.scatter.add.f32 [tilespmem:s15], [sflag:$0x3], $0x80, s10, s13, $0xb8;
	[tilespmem:$0x1CC00] =	vst v63  }
0xfb: {  	_ =	swait.ge [sflag:s11], $0x4000  }
0xfc: {  	[sflag:s11] =	ssyncset.done $0x0  }
0xfd: {  	s6 =	rddreg [dreg:$0x12];
	[sflag:s11] =	ssyncadd.s32 $0xFFFFC000  }
0xfe: {  	[tilespmem:s14], [sflag:$0x1] =	stream.indirect.gather [hbm4b:s1+s13], $0x80, s6, s13, $0xb8;
	[tilespmem:$0x1CC00] =	vst v63  }
0xff: {  	s10 =	rddreg [dreg:$0x13]  }
0x100: {  	[tilespmem:s15], [sflag:$0x2] =	stream.indirect.gather [hbm4b:s1+s13], $0x80, s10, s13, $0xb8;
	[tilespmem:$0x1CC00] =	vst v63  }
0x101: {  	_ =	swait.ge [sflag:s16], $0x4000  }
0x102: {  	[sflag:s16] =	ssyncset.done $0x0  }
0x103: {  	s10 =	rddreg [dreg:$0x14];
	[sflag:s16] =	ssyncadd.s32 $0xFFFFC000  }
0x104: {  	[spmem:s3] =	stream.indirect.scatter.add.f32 [tilespmem:s14], [sflag:$0x3], $0x80, s10, s13, $0xb8;
	[tilespmem:$0x1CC00] =	vst v63  }
0x105: {  	_ =	swait.ge [sflag:s11], $0x4000  }
0x106: {  	[sflag:s11] =	ssyncset.done $0x0  }
0x107: {  	[sflag:s11] =	ssyncadd.s32 $0xFFFFC000  }
0x108: {  	_ =	swait.ge [sflag:s17], $0x4000  }
0x109: {  	[sflag:s17] =	ssyncset.done $0x0  }
0x10a: {  	s10 =	rddreg [dreg:$0x15];
	[sflag:s17] =	ssyncadd.s32 $0xFFFFC000  }
0x10b: {  	[spmem:s3] =	stream.indirect.scatter.add.f32 [tilespmem:s15], [sflag:$0x3], $0x80, s10, s13, $0xb8;
	[tilespmem:$0x1CC00] =	vst v63  }
0x10c: {  	_ =	swait.ge [sflag:s11], $0x4000  }
0x10d: {  	[sflag:s11] =	ssyncset.done $0x0  }
0x10e: {  	s6 =	rddreg [dreg:$0x16];
	[sflag:s11] =	ssyncadd.s32 $0xFFFFC000  }
0x10f: {  	[tilespmem:s14], [sflag:$0x1] =	stream.indirect.gather [hbm4b:s1+s13], $0x80, s6, s13, $0xb8;
	[tilespmem:$0x1CC00] =	vst v63  }
0x110: {  	s10 =	rddreg [dreg:$0x17]  }
0x111: {  	[tilespmem:s15], [sflag:$0x2] =	stream.indirect.gather [hbm4b:s1+s13], $0x80, s10, s13, $0xb8;
	[tilespmem:$0x1CC00] =	vst v63  }
0x112: {  	_ =	swait.ge [sflag:s16], $0x4000  }
0x113: {  	[sflag:s16] =	ssyncset.done $0x0  }
0x114: {  	[sflag:s16] =	ssyncadd.s32 $0xFFFFC000  }
0x115: {  	[spmem:s3] =	stream.indirect.scatter.add.f32 [tilespmem:s14], [sflag:$0x3], $0x80, s18, s13, $0xb8;
	[tilespmem:$0x1CC00] =	vst v63  }
0x116: {  	_ =	swait.ge [sflag:s11], $0x4000  }
0x117: {  	[sflag:s11] =	ssyncset.done $0x0  }
0x118: {  	[sflag:s11] =	ssyncadd.s32 $0xFFFFC000  }
0x119: {  	_ =	swait.ge [sflag:s17], $0x4000  }
0x11a: {  	[sflag:s17] =	ssyncset.done $0x0  }
0x11b: {  	[sflag:s17] =	ssyncadd.s32 $0xFFFFC000  }
0x11c: {  	[spmem:s3] =	stream.indirect.scatter.add.f32 [tilespmem:s15], [sflag:$0x3], $0x80, s19, s13, $0xb8;
	[tilespmem:$0x1CC00] =	vst v63  }
0x11d: {  	_ =	swait.ge [sflag:s11], $0x4000  }
0x11e: {  	[sflag:s11] =	ssyncset.done $0x0  }
0x11f: {  	[sflag:s11] =	ssyncadd.s32 $0xFFFFC000  }
0x120: {  	[tilespmem:s14], [sflag:$0x1] =	stream.indirect.gather [hbm4b:s1+s13], $0x80, s20, s13, $0xb8;
	[tilespmem:$0x1CC00] =	vst v63  }
0x121: {  	_ = 	snop  }
0x122: {  	[tilespmem:s15], [sflag:$0x2] =	stream.indirect.gather [hbm4b:s1+s13], $0x80, s21, s13, $0xb8;
	[tilespmem:$0x1CC00] =	vst v63  }
0x123: {  	_ =	swait.ge [sflag:s16], $0x4000  }
0x124: {  	[sflag:s16] =	ssyncset.done $0x0  }
0x125: {  	[sflag:s16] =	ssyncadd.s32 $0xFFFFC000  }
0x126: {  	[spmem:s3] =	stream.indirect.scatter.add.f32 [tilespmem:s14], [sflag:$0x3], $0x80, s22, s13, $0xb8;
	[tilespmem:$0x1CC00] =	vst v63  }
0x127: {  	_ =	swait.ge [sflag:s11], $0x4000  }
0x128: {  	[sflag:s11] =	ssyncset.done $0x0  }
0x129: {  	[sflag:s11] =	ssyncadd.s32 $0xFFFFC000  }
0x12a: {  	_ =	swait.ge [sflag:s17], $0x4000  }
0x12b: {  	[sflag:s17] =	ssyncset.done $0x0  }
0x12c: {  	[sflag:s17] =	ssyncadd.s32 $0xFFFFC000  }
0x12d: {  	[spmem:s3] =	stream.indirect.scatter.add.f32 [tilespmem:s15], [sflag:$0x3], $0x80, s23, s13, $0xb8;
	[tilespmem:$0x1CC00] =	vst v63  }
0x12e: {  	_ =	swait.ge [sflag:s11], $0x4000  }
0x12f: {  	[sflag:s11] =	ssyncset.done $0x0  }
0x130: {  	[sflag:s11] =	ssyncadd.s32 $0xFFFFC000  }
0x131: {  	[tilespmem:s14], [sflag:$0x1] =	stream.indirect.gather [hbm4b:s1+s13], $0x80, s25, s13, $0xb8;
	[tilespmem:$0x1CC00] =	vst v63  }
0x132: {  	_ = 	snop  }
0x133: {  	[tilespmem:s15], [sflag:$0x2] =	stream.indirect.gather [hbm4b:s1+s13], $0x80, s26, s13, $0xb8;
	[tilespmem:$0x1CC00] =	vst v63  }
0x134: {  	_ =	swait.ge [sflag:s16], $0x4000  }
0x135: {  	[sflag:s16] =	ssyncset.done $0x0  }
0x136: {  	[sflag:s16] =	ssyncadd.s32 $0xFFFFC000  }
0x137: {  	[spmem:s3] =	stream.indirect.scatter.add.f32 [tilespmem:s14], [sflag:$0x3], $0x80, s28, s13, $0xb8;
	[tilespmem:$0x1CC00] =	vst v63  }
0x138: {  	_ =	swait.ge [sflag:s11], $0x4000  }
0x139: {  	[sflag:s11] =	ssyncset.done $0x0  }
0x13a: {  	[sflag:s11] =	ssyncadd.s32 $0xFFFFC000  }
0x13b: {  	_ =	swait.ge [sflag:s17], $0x4000  }
0x13c: {  	[sflag:s17] =	ssyncset.done $0x0  }
0x13d: {  	[sflag:s17] =	ssyncadd.s32 $0xFFFFC000  }
0x13e: {  	[spmem:s3] =	stream.indirect.scatter.add.f32 [tilespmem:s15], [sflag:$0x3], $0x80, s29, s13, $0xb8;
	[tilespmem:$0x1CC00] =	vst v63  }
0x13f: {  	_ =	swait.ge [sflag:s11], $0x4000  }
0x140: {  	[sflag:s11] =	ssyncset.done $0x0  }
0x141: {  	[sflag:s11] =	ssyncadd.s32 $0xFFFFC000  }
0x142: {  	[tilespmem:s14], [sflag:$0x1] =	stream.indirect.gather [hbm4b:s1+s13], $0x80, s30, s13, $0xb8;
	[tilespmem:$0x1CC00] =	vst v63  }
0x143: {  	_ = 	snop  }
0x144: {  	[tilespmem:s15], [sflag:$0x2] =	stream.indirect.gather [hbm4b:s1+s13], $0x80, s31, s13, $0xb8;
	[tilespmem:$0x1CC00] =	vst v63  }
0x145: {  	_ =	swait.ge [sflag:s16], $0x4000  }
0x146: {  	[sflag:s16] =	ssyncset.done $0x0  }
0x147: {  	[sflag:s16] =	ssyncadd.s32 $0xFFFFC000  }
0x148: {  	[spmem:s3] =	stream.indirect.scatter.add.f32 [tilespmem:s14], [sflag:$0x3], $0x80, s0, s13, $0xb8;
	[tilespmem:$0x1CC00] =	vst v63  }
0x149: {  	_ =	swait.ge [sflag:s11], $0x4000  }
0x14a: {  	[sflag:s11] =	ssyncset.done $0x0  }
0x14b: {  	[sflag:s11] =	ssyncadd.s32 $0xFFFFC000  }
0x14c: {  	p1 =	sne.s32 s24, $0x1;
	_ =	swait.ge [sflag:s17], $0x4000  }
.Ltmp2:
0x14d: {  	[sflag:s17] =	ssyncset.done $0x0;
	(pc) =	sbr.rel @p1 .LBB2_5-.Ltmp2, $4  }
0x14e: {  	[sflag:s17] =	ssyncadd.s32 $0xFFFFC000  }
0x14f: {  	[spmem:s3] =	stream.indirect.scatter.add.f32 [tilespmem:s15], [sflag:$0x3], $0x80, s2, s13, $0xb8;
	[tilespmem:$0x1CC00] =	vst v63  }
0x150: {  	_ =	swait.ge [sflag:s11], $0x4000  }
0x151: {  	s24 =	sadd.s32 $0xFFFFFFFF, s24;
	s6 =	rddreg [dreg:$0x7];
	[sflag:s11] =	ssyncset.done $0x0  }
0x152: {  	s24 =	smov.u32 s8;
	s8 =	rddreg [dreg:$0x1b]  }
.LBB2_7:
0x153: {  	s7 =	sadd.s32 @p0 $0x800, s7;
	s10 =	smov.u32 s9  }
0x154: {  	s10 =	smov.u32 @p0 s7  }
0x155: {  	s7 =	sshrl.u32 s10, $0x3  }
0x156: {  	[sflag:s11] =	ssyncadd.s32 @p0 $0xFFFFC000;
	s6 =	sadd.s32 s6, s7  }
0x157: {  	[tilespmem:s4], [sflag:$0x3] =	stream.linear.gather [hbm4b:s6+s4], $0x800, $0x38;
	[tilespmem:$0x1CC00] =	vst v63  }
0x158: {  	_ =	swait.ge [sflag:s11], $0x800  }
0x159: {  	s10 =	rddreg [dreg:$0x8];
	[sflag:s11] =	ssyncset.done $0x0  }
0x15a: {  	[sflag:s11] =	ssyncadd.s32 $0xFFFFF800;
	s6 =	sadd.s32 s10, s7  }
0x15b: {  	[tilespmem:s12], [sflag:$0x3] =	stream.linear.gather [hbm4b:s6+s4], $0x800, $0x38;
	[tilespmem:$0x1CC00] =	vst v63  }
0x15c: {  	_ =	swait.ge [sflag:s11], $0x800  }
0x15d: {  	[sflag:s11] =	ssyncset.done $0x0  }
0x15e: {  	[sflag:s11] =	ssyncadd.s32 $0xFFFFF800  }
0x15f: {  	[tilespmem:s14], [sflag:$0x1] =	stream.indirect.gather [hbm4b:s1+s13], $0x80, s4, s13, $0xb8;
	[tilespmem:$0x1CC00] =	vst v63  }
0x160: {  	_ = 	snop  }
0x161: {  	[tilespmem:s15], [sflag:$0x2] =	stream.indirect.gather [hbm4b:s1+s13], $0x80, s13, s13, $0xb8;
	[tilespmem:$0x1CC00] =	vst v63  }
0x162: {  	_ =	swait.ge [sflag:s16], $0x4000  }
0x163: {  	[sflag:s16] =	ssyncset.done $0x0  }
0x164: {  	[sflag:s16] =	ssyncadd.s32 $0xFFFFC000  }
0x165: {  	[spmem:s3] =	stream.indirect.scatter.add.f32 [tilespmem:s14], [sflag:$0x3], $0x80, s12, s13, $0xb8;
	[tilespmem:$0x1CC00] =	vst v63  }
0x166: {  	_ =	swait.ge [sflag:s11], $0x4000  }
0x167: {  	[sflag:s11] =	ssyncset.done $0x0  }
0x168: {  	[sflag:s11] =	ssyncadd.s32 $0xFFFFC000  }
0x169: {  	_ =	swait.ge [sflag:s17], $0x4000  }
0x16a: {  	[sflag:s17] =	ssyncset.done $0x0  }
0x16b: {  	s10 =	rddreg [dreg:$0x9];
	[sflag:s17] =	ssyncadd.s32 $0xFFFFC000  }
0x16c: {  	[spmem:s3] =	stream.indirect.scatter.add.f32 [tilespmem:s15], [sflag:$0x3], $0x80, s10, s13, $0xb8;
	[tilespmem:$0x1CC00] =	vst v63  }
0x16d: {  	_ =	swait.ge [sflag:s11], $0x4000  }
0x16e: {  	[sflag:s11] =	ssyncset.done $0x0  }
0x16f: {  	s7 =	rddreg [dreg:$0xa];
	[sflag:s11] =	ssyncadd.s32 $0xFFFFC000  }
0x170: {  	[tilespmem:s14], [sflag:$0x1] =	stream.indirect.gather [hbm4b:s1+s13], $0x80, s7, s13, $0xb8;
	[tilespmem:$0x1CC00] =	vst v63  }
0x171: {  	s10 =	rddreg [dreg:$0xb]  }
0x172: {  	[tilespmem:s15], [sflag:$0x2] =	stream.indirect.gather [hbm4b:s1+s13], $0x80, s10, s13, $0xb8;
	[tilespmem:$0x1CC00] =	vst v63  }
0x173: {  	_ =	swait.ge [sflag:s16], $0x4000  }
0x174: {  	[sflag:s16] =	ssyncset.done $0x0  }
0x175: {  	s7 =	rddreg [dreg:$0xc];
	[sflag:s16] =	ssyncadd.s32 $0xFFFFC000  }
0x176: {  	[spmem:s3] =	stream.indirect.scatter.add.f32 [tilespmem:s14], [sflag:$0x3], $0x80, s7, s13, $0xb8;
	[tilespmem:$0x1CC00] =	vst v63  }
0x177: {  	_ =	swait.ge [sflag:s11], $0x4000  }
0x178: {  	[sflag:s11] =	ssyncset.done $0x0  }
0x179: {  	[sflag:s11] =	ssyncadd.s32 $0xFFFFC000  }
0x17a: {  	_ =	swait.ge [sflag:s17], $0x4000  }
0x17b: {  	[sflag:s17] =	ssyncset.done $0x0  }
0x17c: {  	s10 =	rddreg [dreg:$0xd];
	[sflag:s17] =	ssyncadd.s32 $0xFFFFC000  }
0x17d: {  	[spmem:s3] =	stream.indirect.scatter.add.f32 [tilespmem:s15], [sflag:$0x3], $0x80, s10, s13, $0xb8;
	[tilespmem:$0x1CC00] =	vst v63  }
0x17e: {  	_ =	swait.ge [sflag:s11], $0x4000  }
0x17f: {  	[sflag:s11] =	ssyncset.done $0x0  }
0x180: {  	s7 =	rddreg [dreg:$0xe];
	[sflag:s11] =	ssyncadd.s32 $0xFFFFC000  }
0x181: {  	[tilespmem:s14], [sflag:$0x1] =	stream.indirect.gather [hbm4b:s1+s13], $0x80, s7, s13, $0xb8;
	[tilespmem:$0x1CC00] =	vst v63  }
0x182: {  	s10 =	rddreg [dreg:$0xf]  }
0x183: {  	[tilespmem:s15], [sflag:$0x2] =	stream.indirect.gather [hbm4b:s1+s13], $0x80, s10, s13, $0xb8;
	[tilespmem:$0x1CC00] =	vst v63  }
0x184: {  	_ =	swait.ge [sflag:s16], $0x4000  }
0x185: {  	[sflag:s16] =	ssyncset.done $0x0  }
0x186: {  	s7 =	rddreg [dreg:$0x10];
	[sflag:s16] =	ssyncadd.s32 $0xFFFFC000  }
0x187: {  	[spmem:s3] =	stream.indirect.scatter.add.f32 [tilespmem:s14], [sflag:$0x3], $0x80, s7, s13, $0xb8;
	[tilespmem:$0x1CC00] =	vst v63  }
0x188: {  	_ =	swait.ge [sflag:s11], $0x4000  }
0x189: {  	[sflag:s11] =	ssyncset.done $0x0  }
0x18a: {  	[sflag:s11] =	ssyncadd.s32 $0xFFFFC000  }
0x18b: {  	_ =	swait.ge [sflag:s17], $0x4000  }
0x18c: {  	[sflag:s17] =	ssyncset.done $0x0  }
0x18d: {  	s10 =	rddreg [dreg:$0x11];
	[sflag:s17] =	ssyncadd.s32 $0xFFFFC000  }
0x18e: {  	[spmem:s3] =	stream.indirect.scatter.add.f32 [tilespmem:s15], [sflag:$0x3], $0x80, s10, s13, $0xb8;
	[tilespmem:$0x1CC00] =	vst v63  }
0x18f: {  	_ =	swait.ge [sflag:s11], $0x4000  }
0x190: {  	[sflag:s11] =	ssyncset.done $0x0  }
0x191: {  	s7 =	rddreg [dreg:$0x12];
	[sflag:s11] =	ssyncadd.s32 $0xFFFFC000  }
0x192: {  	[tilespmem:s14], [sflag:$0x1] =	stream.indirect.gather [hbm4b:s1+s13], $0x80, s7, s13, $0xb8;
	[tilespmem:$0x1CC00] =	vst v63  }
0x193: {  	s10 =	rddreg [dreg:$0x13]  }
0x194: {  	[tilespmem:s15], [sflag:$0x2] =	stream.indirect.gather [hbm4b:s1+s13], $0x80, s10, s13, $0xb8;
	[tilespmem:$0x1CC00] =	vst v63  }
0x195: {  	_ =	swait.ge [sflag:s16], $0x4000  }
0x196: {  	[sflag:s16] =	ssyncset.done $0x0  }
0x197: {  	s7 =	rddreg [dreg:$0x14];
	[sflag:s16] =	ssyncadd.s32 $0xFFFFC000  }
0x198: {  	[spmem:s3] =	stream.indirect.scatter.add.f32 [tilespmem:s14], [sflag:$0x3], $0x80, s7, s13, $0xb8;
	[tilespmem:$0x1CC00] =	vst v63  }
0x199: {  	_ =	swait.ge [sflag:s11], $0x4000  }
0x19a: {  	[sflag:s11] =	ssyncset.done $0x0  }
0x19b: {  	[sflag:s11] =	ssyncadd.s32 $0xFFFFC000  }
0x19c: {  	_ =	swait.ge [sflag:s17], $0x4000  }
0x19d: {  	[sflag:s17] =	ssyncset.done $0x0  }
0x19e: {  	s10 =	rddreg [dreg:$0x15];
	[sflag:s17] =	ssyncadd.s32 $0xFFFFC000  }
0x19f: {  	[spmem:s3] =	stream.indirect.scatter.add.f32 [tilespmem:s15], [sflag:$0x3], $0x80, s10, s13, $0xb8;
	[tilespmem:$0x1CC00] =	vst v63  }
0x1a0: {  	_ =	swait.ge [sflag:s11], $0x4000  }
0x1a1: {  	[sflag:s11] =	ssyncset.done $0x0  }
0x1a2: {  	s7 =	rddreg [dreg:$0x16];
	[sflag:s11] =	ssyncadd.s32 $0xFFFFC000  }
0x1a3: {  	[tilespmem:s14], [sflag:$0x1] =	stream.indirect.gather [hbm4b:s1+s13], $0x80, s7, s13, $0xb8;
	[tilespmem:$0x1CC00] =	vst v63  }
0x1a4: {  	s10 =	rddreg [dreg:$0x17]  }
0x1a5: {  	[tilespmem:s15], [sflag:$0x2] =	stream.indirect.gather [hbm4b:s1+s13], $0x80, s10, s13, $0xb8;
	[tilespmem:$0x1CC00] =	vst v63  }
0x1a6: {  	_ =	swait.ge [sflag:s16], $0x4000  }
0x1a7: {  	[sflag:s16] =	ssyncset.done $0x0  }
0x1a8: {  	[sflag:s16] =	ssyncadd.s32 $0xFFFFC000  }
0x1a9: {  	[spmem:s3] =	stream.indirect.scatter.add.f32 [tilespmem:s14], [sflag:$0x3], $0x80, s18, s13, $0xb8;
	[tilespmem:$0x1CC00] =	vst v63  }
0x1aa: {  	_ =	swait.ge [sflag:s11], $0x4000  }
0x1ab: {  	[sflag:s11] =	ssyncset.done $0x0  }
0x1ac: {  	[sflag:s11] =	ssyncadd.s32 $0xFFFFC000  }
0x1ad: {  	_ =	swait.ge [sflag:s17], $0x4000  }
0x1ae: {  	[sflag:s17] =	ssyncset.done $0x0  }
0x1af: {  	[sflag:s17] =	ssyncadd.s32 $0xFFFFC000  }
0x1b0: {  	[spmem:s3] =	stream.indirect.scatter.add.f32 [tilespmem:s15], [sflag:$0x3], $0x80, s19, s13, $0xb8;
	[tilespmem:$0x1CC00] =	vst v63  }
0x1b1: {  	_ =	swait.ge [sflag:s11], $0x4000  }
0x1b2: {  	[sflag:s11] =	ssyncset.done $0x0  }
0x1b3: {  	[sflag:s11] =	ssyncadd.s32 $0xFFFFC000  }
0x1b4: {  	[tilespmem:s14], [sflag:$0x1] =	stream.indirect.gather [hbm4b:s1+s13], $0x80, s20, s13, $0xb8;
	[tilespmem:$0x1CC00] =	vst v63  }
0x1b5: {  	_ = 	snop  }
0x1b6: {  	[tilespmem:s15], [sflag:$0x2] =	stream.indirect.gather [hbm4b:s1+s13], $0x80, s21, s13, $0xb8;
	[tilespmem:$0x1CC00] =	vst v63  }
0x1b7: {  	_ =	swait.ge [sflag:s16], $0x4000  }
0x1b8: {  	[sflag:s16] =	ssyncset.done $0x0  }
0x1b9: {  	[sflag:s16] =	ssyncadd.s32 $0xFFFFC000  }
0x1ba: {  	[spmem:s3] =	stream.indirect.scatter.add.f32 [tilespmem:s14], [sflag:$0x3], $0x80, s22, s13, $0xb8;
	[tilespmem:$0x1CC00] =	vst v63  }
0x1bb: {  	_ =	swait.ge [sflag:s11], $0x4000  }
0x1bc: {  	[sflag:s11] =	ssyncset.done $0x0  }
0x1bd: {  	[sflag:s11] =	ssyncadd.s32 $0xFFFFC000  }
0x1be: {  	_ =	swait.ge [sflag:s17], $0x4000  }
0x1bf: {  	[sflag:s17] =	ssyncset.done $0x0  }
0x1c0: {  	[sflag:s17] =	ssyncadd.s32 $0xFFFFC000  }
0x1c1: {  	[spmem:s3] =	stream.indirect.scatter.add.f32 [tilespmem:s15], [sflag:$0x3], $0x80, s23, s13, $0xb8;
	[tilespmem:$0x1CC00] =	vst v63  }
0x1c2: {  	_ =	swait.ge [sflag:s11], $0x4000  }
0x1c3: {  	[sflag:s11] =	ssyncset.done $0x0  }
0x1c4: {  	[sflag:s11] =	ssyncadd.s32 $0xFFFFC000  }
0x1c5: {  	[tilespmem:s14], [sflag:$0x1] =	stream.indirect.gather [hbm4b:s1+s13], $0x80, s25, s13, $0xb8;
	[tilespmem:$0x1CC00] =	vst v63  }
0x1c6: {  	_ = 	snop  }
0x1c7: {  	[tilespmem:s15], [sflag:$0x2] =	stream.indirect.gather [hbm4b:s1+s13], $0x80, s26, s13, $0xb8;
	[tilespmem:$0x1CC00] =	vst v63  }
0x1c8: {  	_ =	swait.ge [sflag:s16], $0x4000  }
0x1c9: {  	[sflag:s16] =	ssyncset.done $0x0  }
0x1ca: {  	[sflag:s16] =	ssyncadd.s32 $0xFFFFC000  }
0x1cb: {  	[spmem:s3] =	stream.indirect.scatter.add.f32 [tilespmem:s14], [sflag:$0x3], $0x80, s28, s13, $0xb8;
	[tilespmem:$0x1CC00] =	vst v63  }
0x1cc: {  	_ =	swait.ge [sflag:s11], $0x4000  }
0x1cd: {  	[sflag:s11] =	ssyncset.done $0x0  }
0x1ce: {  	[sflag:s11] =	ssyncadd.s32 $0xFFFFC000  }
0x1cf: {  	_ =	swait.ge [sflag:s17], $0x4000  }
0x1d0: {  	[sflag:s17] =	ssyncset.done $0x0  }
0x1d1: {  	[sflag:s17] =	ssyncadd.s32 $0xFFFFC000  }
0x1d2: {  	[spmem:s3] =	stream.indirect.scatter.add.f32 [tilespmem:s15], [sflag:$0x3], $0x80, s29, s13, $0xb8;
	[tilespmem:$0x1CC00] =	vst v63  }
0x1d3: {  	_ =	swait.ge [sflag:s11], $0x4000  }
0x1d4: {  	[sflag:s11] =	ssyncset.done $0x0  }
0x1d5: {  	[sflag:s11] =	ssyncadd.s32 $0xFFFFC000  }
0x1d6: {  	[tilespmem:s14], [sflag:$0x1] =	stream.indirect.gather [hbm4b:s1+s13], $0x80, s30, s13, $0xb8;
	[tilespmem:$0x1CC00] =	vst v63  }
0x1d7: {  	_ = 	snop  }
0x1d8: {  	[tilespmem:s15], [sflag:$0x2] =	stream.indirect.gather [hbm4b:s1+s13], $0x80, s31, s13, $0xb8;
	[tilespmem:$0x1CC00] =	vst v63  }
0x1d9: {  	_ =	swait.ge [sflag:s16], $0x4000  }
0x1da: {  	[sflag:s16] =	ssyncset.done $0x0  }
0x1db: {  	[sflag:s16] =	ssyncadd.s32 $0xFFFFC000  }
0x1dc: {  	[spmem:s3] =	stream.indirect.scatter.add.f32 [tilespmem:s14], [sflag:$0x3], $0x80, s0, s13, $0xb8;
	[tilespmem:$0x1CC00] =	vst v63  }
0x1dd: {  	_ =	swait.ge [sflag:s11], $0x4000  }
0x1de: {  	[sflag:s11] =	ssyncset.done $0x0  }
0x1df: {  	[sflag:s11] =	ssyncadd.s32 $0xFFFFC000  }
0x1e0: {  	_ =	swait.ge [sflag:s17], $0x4000  }
0x1e1: {  	[sflag:s17] =	ssyncset.done $0x0  }
0x1e2: {  	[sflag:s17] =	ssyncadd.s32 $0xFFFFC000  }
0x1e3: {  	[spmem:s3] =	stream.indirect.scatter.add.f32 [tilespmem:s15], [sflag:$0x3], $0x80, s2, s13, $0xb8;
	[tilespmem:$0x1CC00] =	vst v63  }
0x1e4: {  	_ =	swait.ge [sflag:s11], $0x4000  }
0x1e5: {  	[sflag:s11] =	ssyncset.done $0x0  }
0x1e6: {  	[sflag:s11] =	ssyncadd.s32 $0xFFFFC000  }
0x1e7: {  	[bflag:$0x0] =	sbarrier.arrive $0xFFFF  }
0x1e8: {  	s7 =	rddreg [dreg:$0x1c]  }
0x1e9: {  	[hbm:s7], [sflag:s24] =	dma.local [spmem:s8], $0x2780  }
0x1ea: {  	_ =	swait.ge [sflag:s11], $0x2780  }
0x1eb: {  	s5 =	sadd.s32 $0x1, s5;
	s10 =	rddreg [dreg:$0x1a]  }
0x1ec: {  	p0 =	sne.s32 s5, s10  }
.Ltmp3:
0x1ed: {  	_ = 	snop;
	(pc) =	sbr.rel @p0 .LBB2_1-.Ltmp3, $4  }
.Ltmp4:
0x1ee: {  	_ = 	snop;
	(pc) =	sbr.rel @!p0 .LBB2_8-.Ltmp4, $4  }
0x1ef: {  	_ = 	snop  }
0x1f0: {  	[sflag:s11] =	ssyncset.done $0x0  }
0x1f1: {  	[sflag:s11] =	ssyncadd.s32 $0xFFFFD880  }
0x1f2: {  	_ = 	snop  }
.LBB2_2:
.Ltmp5:
0x1f3: {  	(pc) =	sbr.rel .LBB2_7-.Ltmp5, $2  }
0x1f4: {  	_ =	sdelay $0x2  }
0x1f5: {  	s7 =	smov.u32 s9  }
.LBB2_4:
.Ltmp6:
0x1f6: {  	(pc) =	sbr.rel .LBB2_7-.Ltmp6, $2  }
0x1f7: {  	_ =	sdelay $0x2  }
0x1f8: {  	s7 =	smov.u32 s9;
	s24 =	smov.u32 s8;
	s8 =	rddreg [dreg:$0x1b]  }
.LBB2_8:
0x1f9: {  	_ =	sfence.sel $0x180000  }
0x1fa: {  	[bflag:$0x0] =	sbarrier.arrive $0xFFFF  }
0x1fb: {  	_ =	strace $0x90000047  }
0x1fc: {  	s0 =	stileid.u32;
	[bflag:$0x2] =	sbarrier.arrive $0xFFFF  }
0x1fd: {  	p0 =	sne.s32 s0, $0x0;
	s0 =	rddreg [dreg:$0x6]  }
0x1fe: {  	s0 =	sadd.s32 @!p0 $0x100000, s0  }
0x1ff: {  	[sflag:s0] =	ssyncadd.tile.s32 @!p0 $0x1;
	_ =	shalt  }
.Lfunc_end2:
_tile_overlayer_lowered:
.L_overlay_start_2:
0x200: {  	(tag) =	ssettag $0x2  }
0x201: {  	s0 =	rddreg [dreg:$0x0];
	s2 =	stileid.u32  }
0x202: {  	s1 =	rddreg [dreg:$0x1];
	p0 =	sne.s32 s2, $0x0  }
0x203: {  	s3 =	rddreg [dreg:$0x2];
	[bflag:$0x3] =	sbarrier.arrive $0xFFFF;
	s2 =	simm.s32 @!p0 $0x1C03  }
0x204: {  	[timem:s3], [sflag:s2] =	dma.local @!p0 [hbm:s0], s1  }
0x205: {  	s0 =	simm.s32 @!p0 $0x3  }
0x206: {  	_ =	swait.ge @!p0 [sflag:s0], s1  }
0x207: {  	s1 =	ssub.s32 @!p0 $0x0, s1;
	[sflag:s0] =	ssyncset.done @!p0 $0x0  }
0x208: {  	[sflag:s0] =	ssyncadd.s32 @!p0 s1  }
0x209: {  	[bflag:$0x3] =	sbarrier.arrive $0xFFFF  }
0x20a: {  	_ =	shalt  }

</sc_bundles>
